<compile_context>
chip_gen: v7x
topology: tpu7x:2x2x1
jax: 0.10.2.dev20260603
libtpu: 0.0.44.dev20260713+nightly
codegen_flags: <defaults>
</compile_context>

<pallas_src>
import functools

import jax
import jax.numpy as jnp
from jax import lax
from jax.experimental import pallas as pl
from jax.experimental.pallas import tpu as pltpu
from jax.experimental.pallas import tpu_sc as plsc

NC = 2
NS = 16
NW = NC * NS

VOCAB = 1000000
DIM = 64
BATCH = 16384
HIST = 20
BPW = BATCH // NW
SUB = BPW // 2
GRP = 1024
TGRID = (VOCAB + GRP - 1) // GRP
TROWS = TGRID * (GRP // 2)


def _transpose_table(embs_t):
    gpb = 32

    def body(x_ref, o_ref):
        for g in range(gpb):
            stacked = jnp.concatenate(
                [x_ref[:, g * GRP:g * GRP + GRP // 2],
                 x_ref[:, g * GRP + GRP // 2:(g + 1) * GRP]], axis=0)
            o_ref[g * (GRP // 2):(g + 1) * (GRP // 2), :] = (
                jnp.transpose(stacked, (1, 0)))

    grid = (TGRID + gpb - 1) // gpb
    return pl.pallas_call(
        body,
        grid=(grid,),
        in_specs=[pl.BlockSpec((DIM, gpb * GRP), lambda i: (0, i))],
        out_specs=pl.BlockSpec((gpb * GRP // 2, 2 * DIM), lambda i: (i, 0)),
        out_shape=jax.ShapeDtypeStruct((TROWS, 2 * DIM), jnp.float32),
    )(embs_t)


def _make_gather():
    mesh = plsc.VectorSubcoreMesh(core_axis_name="c", subcore_axis_name="s")

    @functools.partial(
        pl.kernel,
        mesh=mesh,
        out_type=jax.ShapeDtypeStruct((HIST * DIM, BATCH), jnp.float32),
        scratch_types=[
            pltpu.VMEM((BPW,), jnp.int32),
            pltpu.VMEM((2, SUB), jnp.int32),
            pltpu.VMEM((SUB, DIM), jnp.float32),
            pltpu.VMEM((SUB, DIM), jnp.float32),
            pltpu.VMEM((DIM, SUB + 1), jnp.float32),
            pltpu.SemaphoreType.DMA,
            pltpu.SemaphoreType.DMA,
        ],
        compiler_params=pltpu.CompilerParams(
            use_tc_tiling_on_sc=False, needs_layout_passes=False),
    )
    def gather(table_hbm, idx_hbm, out_hbm, idx_v, q_v, rows_a, rows_b,
               t_v, sem_a, sem_b):
        wid = lax.axis_index("s") * NC + lax.axis_index("c")
        b0 = wid * BPW
        rows = (rows_a, rows_b)
        sems = (sem_a, sem_b)

        def load_q(h, sub):
            def q_body(j, c):
                v = idx_v[pl.ds(sub * SUB + j * 16, 16)]
                q_v[sub, pl.ds(j * 16, 16)] = (
                    ((v >> 10) << 10) + ((v & (GRP // 2 - 1)) << 1)
                    + ((v >> 9) & 1))
                return c
            lax.fori_loop(0, SUB // 16, q_body, 0, unroll=4)

        def fire(sub):
            return pltpu.async_copy(table_hbm.at[q_v.at[sub]], rows[sub],
                                    sems[sub])

        def drain(sub):
            pltpu.make_async_copy(table_hbm.at[q_v.at[sub]], rows[sub],
                                  sems[sub]).wait()

        dvecs = [lax.iota(jnp.int32, 16) + 16 * k for k in range(DIM // 16)]

        def transpose_out(h, sub):
            rv = rows[sub]
            @plsc.parallel_loop(0, SUB, unroll=2)
            def b_body(b, _rv=rv):
                bvec = jnp.full((16,), 0, jnp.int32) + b
                for k in range(DIM // 16):
                    plsc.store_scatter(t_v, [dvecs[k], bvec],
                                       _rv[b, pl.ds(16 * k, 16)])

            pltpu.sync_copy(
                t_v.at[:, pl.ds(0, SUB)],
                out_hbm.at[pl.ds(h * DIM, DIM), pl.ds(b0 + sub * SUB, SUB)])

        pltpu.sync_copy(idx_hbm.at[0, pl.ds(b0, BPW)], idx_v)
        load_q(0, 0)
        load_q(0, 1)
        fire(0)

        def h_body(h, carry):
            fire(1)
            drain(0)
            transpose_out(h, 0)
            @pl.when(h + 1 < HIST)
            def _():
                pltpu.sync_copy(idx_hbm.at[h + 1, pl.ds(b0, BPW)], idx_v)
                load_q(h + 1, 0)
                fire(0)
            drain(1)
            transpose_out(h, 1)
            @pl.when(h + 1 < HIST)
            def _():
                load_q(h + 1, 1)
            return carry

        lax.fori_loop(0, HIST, h_body, 0)

    return gather


def kernel(indices, embs):
    table = _transpose_table(embs.T)
    table = table.reshape(2 * TROWS, DIM)
    idx_t = indices.T
    out = _make_gather()(table, idx_t)
    out = out.reshape(HIST, DIM, BATCH)
    return jnp.transpose(out, (2, 0, 1))

# --- scband reference (transcript-rebuilt; emitter-appended) ---
"""Pipeline reference for scband-shared-embeddings-independent-logits-70385924047415 (READ-ONLY COPY).

The authoritative reference and input builder live on the scoring server;
editing this copy changes nothing except your own understanding.
"""

import jax, jax.numpy as jnp
import numpy as np

VOCAB = 1000000
DIM = 64
PAD_IDX = 0
BATCH = 16384
HIST = 20


def setup_inputs(seed: int = 0) -> dict:
    key = jax.random.key(seed)
    k1, k2 = jax.random.split(key)
    indices = jax.random.randint(k1, (BATCH, HIST), 0, VOCAB, dtype=jnp.int32)
    var = DIM ** (-0.5)
    embs = jax.random.normal(k2, (VOCAB, DIM), dtype=jnp.float32) * var
    embs = embs.at[PAD_IDX].set(0.0)  # zero_pad_emb / init_parameters behavior
    return {"indices": indices, "embs": embs}


def reference(indices, embs):
    # SharedEmbeddingsIndependentLogits.get_src_embs / get_tgt_embs:
    # F.embedding(indices, embs, padding_idx=pad_idx, max_norm=None) with max_norm=0 -> None,
    # so the forward is a plain row-gather from the shared table.
    out = jnp.take(embs, indices, axis=0)
    return out

if __name__ == "__main__":
    import jax
    _d = setup_inputs()
    print(jax.jit(kernel)(*tuple(_d.values())))

</pallas_src>

<mosaic_0001>
#map = affine_map<(d0, d1) -> (0, 0)>
module attributes {stable_mosaic.version = 14 : i64} {
  func.func @gather(%arg0: i32, %arg1: i32, %arg2: memref<1000448x64xf32, #tpu.memory_space<hbm>>, %arg3: memref<20x16384xi32, #tpu.memory_space<hbm>>, %arg4: memref<1280x16384xf32, #tpu.memory_space<hbm>>, %arg5: memref<512xi32, #tpu.memory_space<vmem>>, %arg6: memref<2x256xi32, #tpu.memory_space<vmem>>, %arg7: memref<256x64xf32, #tpu.memory_space<vmem>>, %arg8: memref<256x64xf32, #tpu.memory_space<vmem>>, %arg9: memref<64x257xf32, #tpu.memory_space<vmem>>, %arg10: memref<!tpu.dma_semaphore, #tpu.memory_space<semaphore_mem>>, %arg11: memref<!tpu.dma_semaphore, #tpu.memory_space<semaphore_mem>>) attributes {dimension_semantics = [#tpu.dimension_semantics<core_parallel>, #tpu.dimension_semantics<subcore_parallel>], iteration_bounds = array<i64: 2, 16>, scalar_prefetch = 0 : i64, scratch_operands = 7 : i64, tpu.core_type = #tpu.core_type<sc_vector_subcore>, window_params = [{transform_indices = #map}, {transform_indices = #map}, {transform_indices = #map}]} {
    %mul3A = arith.constant 2 : i32
    %mul3A_0 = arith.muli %arg1, %mul3A : i32
    %add3A = arith.addi %mul3A_0, %arg0 : i32
    %mul3A_1 = arith.constant 512 : i32
    %mul3A_2 = arith.muli %add3A, %mul3A_1 : i32
    %iota3A = tpu.iota {dimensions = array<i32: 0>} : vector<16xi32>
    %add3A_3 = arith.constant 0 : i32
    %add3A_4 = vector.broadcast %add3A_3 : i32 to vector<16xi32>
    %add3A_5 = arith.addi %iota3A, %add3A_4 : vector<16xi32>
    %iota3A_6 = tpu.iota {dimensions = array<i32: 0>} : vector<16xi32>
    %add3A_7 = arith.constant 16 : i32
    %add3A_8 = vector.broadcast %add3A_7 : i32 to vector<16xi32>
    %add3A_9 = arith.addi %iota3A_6, %add3A_8 : vector<16xi32>
    %iota3A_10 = tpu.iota {dimensions = array<i32: 0>} : vector<16xi32>
    %add3A_11 = arith.constant 32 : i32
    %add3A_12 = vector.broadcast %add3A_11 : i32 to vector<16xi32>
    %add3A_13 = arith.addi %iota3A_10, %add3A_12 : vector<16xi32>
    %iota3A_14 = tpu.iota {dimensions = array<i32: 0>} : vector<16xi32>
    %add3A_15 = arith.constant 48 : i32
    %add3A_16 = vector.broadcast %add3A_15 : i32 to vector<16xi32>
    %add3A_17 = arith.addi %iota3A_14, %add3A_16 : vector<16xi32>
    %run_scoped3A = arith.constant 0 : i32
    "tpu.region"() ({
      %run_scoped3A_41 = tpu.sem_alloc : memref<!tpu.dma_semaphore, #tpu.memory_space<semaphore_mem>>
      %dma_start3A_42 = tpu.memref_slice %arg3[%run_scoped3A, %mul3A_2] : memref<20x16384xi32, #tpu.memory_space<hbm>> -> memref<1x512xi32, #tpu.memory_space<hbm>>
      %dma_start3A_43 = tpu.memref_squeeze %dma_start3A_42 : memref<1x512xi32, #tpu.memory_space<hbm>> -> memref<512xi32, #tpu.memory_space<hbm>>
      %dma_start3A_44 = tpu.memref_slice %arg3[%run_scoped3A, %mul3A_2] : memref<20x16384xi32, #tpu.memory_space<hbm>> -> memref<1x512xi32, #tpu.memory_space<hbm>>
      %dma_start3A_45 = tpu.memref_squeeze %dma_start3A_44 : memref<1x512xi32, #tpu.memory_space<hbm>> -> memref<512xi32, #tpu.memory_space<hbm>>
      tpu.enqueue_dma source(%dma_start3A_45 : memref<512xi32, #tpu.memory_space<hbm>>) target(%arg5 : memref<512xi32, #tpu.memory_space<vmem>>) target_semaphore(%run_scoped3A_41 : memref<!tpu.dma_semaphore, #tpu.memory_space<semaphore_mem>>)
      %dma_wait3A = tpu.memref_slice %arg3[%run_scoped3A, %mul3A_2] : memref<20x16384xi32, #tpu.memory_space<hbm>> -> memref<1x512xi32, #tpu.memory_space<hbm>>
      %dma_wait3A_46 = tpu.memref_squeeze %dma_wait3A : memref<1x512xi32, #tpu.memory_space<hbm>> -> memref<512xi32, #tpu.memory_space<hbm>>
      %dma_wait3A_47 = tpu.memref_slice %arg3[%run_scoped3A, %mul3A_2] : memref<20x16384xi32, #tpu.memory_space<hbm>> -> memref<1x512xi32, #tpu.memory_space<hbm>>
      %dma_wait3A_48 = tpu.memref_squeeze %dma_wait3A_47 : memref<1x512xi32, #tpu.memory_space<hbm>> -> memref<512xi32, #tpu.memory_space<hbm>>
      tpu.wait_dma2 semaphore(%run_scoped3A_41 : memref<!tpu.dma_semaphore, #tpu.memory_space<semaphore_mem>>) src(%dma_wait3A_48 : memref<512xi32, #tpu.memory_space<hbm>>) dst(%arg5 : memref<512xi32, #tpu.memory_space<vmem>>)
      tpu.yield
    }) : () -> ()
    %scan3A = arith.constant 0 : i32
    %scan3A_18 = arith.constant 0 : i32
    %scan3A_19 = arith.constant 16 : i32
    %scan3A_20 = arith.addi %scan3A_18, %scan3A_19 : i32
    %scan3A_21 = arith.constant 4 : i32
    scf.for %scan3A_41 = %scan3A_18 to %scan3A_20 step %scan3A_21  : i32 {
      %mul3A_42 = arith.constant 16 : i32
      %mul3A_43 = arith.muli %scan3A_41, %mul3A_42 : i32
      %add3A_44 = arith.constant 0 : i32
      %add3A_45 = arith.addi %add3A_44, %mul3A_43 : i32
      %get3A = arith.index_cast %add3A_45 : i32 to index
      %get3A_46 = tpu.vector_load %arg5[%get3A] {strides = array<i32>} : memref<512xi32, #tpu.memory_space<vmem>>, vector<16xi32>,
      %shift_right_arithmetic3A = arith.constant 10 : i32
      %shift_right_arithmetic3A_47 = vector.broadcast %shift_right_arithmetic3A : i32 to vector<16xi32>
      %shift_right_arithmetic3A_48 = arith.shrsi %get3A_46, %shift_right_arithmetic3A_47 : vector<16xi32>
      %shift_left3A = arith.constant 10 : i32
      %shift_left3A_49 = vector.broadcast %shift_left3A : i32 to vector<16xi32>
      %shift_left3A_50 = arith.shli %shift_right_arithmetic3A_48, %shift_left3A_49 : vector<16xi32>
      %and3A = arith.constant 511 : i32
      %and3A_51 = vector.broadcast %and3A : i32 to vector<16xi32>
      %and3A_52 = arith.andi %get3A_46, %and3A_51 : vector<16xi32>
      %shift_left3A_53 = arith.constant 1 : i32
      %shift_left3A_54 = vector.broadcast %shift_left3A_53 : i32 to vector<16xi32>
      %shift_left3A_55 = arith.shli %and3A_52, %shift_left3A_54 : vector<16xi32>
      %add3A_56 = arith.addi %shift_left3A_50, %shift_left3A_55 : vector<16xi32>
      %shift_right_arithmetic3A_57 = arith.constant 9 : i32
      %shift_right_arithmetic3A_58 = vector.broadcast %shift_right_arithmetic3A_57 : i32 to vector<16xi32>
      %shift_right_arithmetic3A_59 = arith.shrsi %get3A_46, %shift_right_arithmetic3A_58 : vector<16xi32>
      %and3A_60 = arith.constant 1 : i32
      %and3A_61 = vector.broadcast %and3A_60 : i32 to vector<16xi32>
      %and3A_62 = arith.andi %shift_right_arithmetic3A_59, %and3A_61 : vector<16xi32>
      %add3A_63 = arith.addi %add3A_56, %and3A_62 : vector<16xi32>
      %mul3A_64 = arith.constant 16 : i32
      %mul3A_65 = arith.muli %scan3A_41, %mul3A_64 : i32
      %swap3A = arith.constant 0 : i32
      %swap3A_66 = arith.index_cast %swap3A : i32 to index
      %swap3A_67 = arith.index_cast %mul3A_65 : i32 to index
      %swap3A_68 = tpu.vector_load %arg6[%swap3A_66, %swap3A_67] {strides = array<i32>} : memref<2x256xi32, #tpu.memory_space<vmem>>, vector<16xi32>,
      tpu.vector_store %arg6[%swap3A_66, %swap3A_67], %add3A_63 {strides = array<i32>} : memref<2x256xi32, #tpu.memory_space<vmem>>, vector<16xi32>,
      %scan3A_69 = arith.constant 1 : i32
      %scan3A_70 = arith.addi %scan3A_41, %scan3A_69 : i32
      %mul3A_71 = arith.constant 16 : i32
      %mul3A_72 = arith.muli %scan3A_70, %mul3A_71 : i32
      %add3A_73 = arith.constant 0 : i32
      %add3A_74 = arith.addi %add3A_73, %mul3A_72 : i32
      %get3A_75 = arith.index_cast %add3A_74 : i32 to index
      %get3A_76 = tpu.vector_load %arg5[%get3A_75] {strides = array<i32>} : memref<512xi32, #tpu.memory_space<vmem>>, vector<16xi32>,
      %shift_right_arithmetic3A_77 = arith.constant 10 : i32
      %shift_right_arithmetic3A_78 = vector.broadcast %shift_right_arithmetic3A_77 : i32 to vector<16xi32>
      %shift_right_arithmetic3A_79 = arith.shrsi %get3A_76, %shift_right_arithmetic3A_78 : vector<16xi32>
      %shift_left3A_80 = arith.constant 10 : i32
      %shift_left3A_81 = vector.broadcast %shift_left3A_80 : i32 to vector<16xi32>
      %shift_left3A_82 = arith.shli %shift_right_arithmetic3A_79, %shift_left3A_81 : vector<16xi32>
      %and3A_83 = arith.constant 511 : i32
      %and3A_84 = vector.broadcast %and3A_83 : i32 to vector<16xi32>
      %and3A_85 = arith.andi %get3A_76, %and3A_84 : vector<16xi32>
      %shift_left3A_86 = arith.constant 1 : i32
      %shift_left3A_87 = vector.broadcast %shift_left3A_86 : i32 to vector<16xi32>
      %shift_left3A_88 = arith.shli %and3A_85, %shift_left3A_87 : vector<16xi32>
      %add3A_89 = arith.addi %shift_left3A_82, %shift_left3A_88 : vector<16xi32>
      %shift_right_arithmetic3A_90 = arith.constant 9 : i32
      %shift_right_arithmetic3A_91 = vector.broadcast %shift_right_arithmetic3A_90 : i32 to vector<16xi32>
      %shift_right_arithmetic3A_92 = arith.shrsi %get3A_76, %shift_right_arithmetic3A_91 : vector<16xi32>
      %and3A_93 = arith.constant 1 : i32
      %and3A_94 = vector.broadcast %and3A_93 : i32 to vector<16xi32>
      %and3A_95 = arith.andi %shift_right_arithmetic3A_92, %and3A_94 : vector<16xi32>
      %add3A_96 = arith.addi %add3A_89, %and3A_95 : vector<16xi32>
      %mul3A_97 = arith.constant 16 : i32
      %mul3A_98 = arith.muli %scan3A_70, %mul3A_97 : i32
      %swap3A_99 = arith.constant 0 : i32
      %swap3A_100 = arith.index_cast %swap3A_99 : i32 to index
      %swap3A_101 = arith.index_cast %mul3A_98 : i32 to index
      %swap3A_102 = tpu.vector_load %arg6[%swap3A_100, %swap3A_101] {strides = array<i32>} : memref<2x256xi32, #tpu.memory_space<vmem>>, vector<16xi32>,
      tpu.vector_store %arg6[%swap3A_100, %swap3A_101], %add3A_96 {strides = array<i32>} : memref<2x256xi32, #tpu.memory_space<vmem>>, vector<16xi32>,
      %scan3A_103 = arith.constant 2 : i32
      %scan3A_104 = arith.addi %scan3A_41, %scan3A_103 : i32
      %mul3A_105 = arith.constant 16 : i32
      %mul3A_106 = arith.muli %scan3A_104, %mul3A_105 : i32
      %add3A_107 = arith.constant 0 : i32
      %add3A_108 = arith.addi %add3A_107, %mul3A_106 : i32
      %get3A_109 = arith.index_cast %add3A_108 : i32 to index
      %get3A_110 = tpu.vector_load %arg5[%get3A_109] {strides = array<i32>} : memref<512xi32, #tpu.memory_space<vmem>>, vector<16xi32>,
      %shift_right_arithmetic3A_111 = arith.constant 10 : i32
      %shift_right_arithmetic3A_112 = vector.broadcast %shift_right_arithmetic3A_111 : i32 to vector<16xi32>
      %shift_right_arithmetic3A_113 = arith.shrsi %get3A_110, %shift_right_arithmetic3A_112 : vector<16xi32>
      %shift_left3A_114 = arith.constant 10 : i32
      %shift_left3A_115 = vector.broadcast %shift_left3A_114 : i32 to vector<16xi32>
      %shift_left3A_116 = arith.shli %shift_right_arithmetic3A_113, %shift_left3A_115 : vector<16xi32>
      %and3A_117 = arith.constant 511 : i32
      %and3A_118 = vector.broadcast %and3A_117 : i32 to vector<16xi32>
      %and3A_119 = arith.andi %get3A_110, %and3A_118 : vector<16xi32>
      %shift_left3A_120 = arith.constant 1 : i32
      %shift_left3A_121 = vector.broadcast %shift_left3A_120 : i32 to vector<16xi32>
      %shift_left3A_122 = arith.shli %and3A_119, %shift_left3A_121 : vector<16xi32>
      %add3A_123 = arith.addi %shift_left3A_116, %shift_left3A_122 : vector<16xi32>
      %shift_right_arithmetic3A_124 = arith.constant 9 : i32
      %shift_right_arithmetic3A_125 = vector.broadcast %shift_right_arithmetic3A_124 : i32 to vector<16xi32>
      %shift_right_arithmetic3A_126 = arith.shrsi %get3A_110, %shift_right_arithmetic3A_125 : vector<16xi32>
      %and3A_127 = arith.constant 1 : i32
      %and3A_128 = vector.broadcast %and3A_127 : i32 to vector<16xi32>
      %and3A_129 = arith.andi %shift_right_arithmetic3A_126, %and3A_128 : vector<16xi32>
      %add3A_130 = arith.addi %add3A_123, %and3A_129 : vector<16xi32>
      %mul3A_131 = arith.constant 16 : i32
      %mul3A_132 = arith.muli %scan3A_104, %mul3A_131 : i32
      %swap3A_133 = arith.constant 0 : i32
      %swap3A_134 = arith.index_cast %swap3A_133 : i32 to index
      %swap3A_135 = arith.index_cast %mul3A_132 : i32 to index
      %swap3A_136 = tpu.vector_load %arg6[%swap3A_134, %swap3A_135] {strides = array<i32>} : memref<2x256xi32, #tpu.memory_space<vmem>>, vector<16xi32>,
      tpu.vector_store %arg6[%swap3A_134, %swap3A_135], %add3A_130 {strides = array<i32>} : memref<2x256xi32, #tpu.memory_space<vmem>>, vector<16xi32>,
      %scan3A_137 = arith.constant 3 : i32
      %scan3A_138 = arith.addi %scan3A_41, %scan3A_137 : i32
      %mul3A_139 = arith.constant 16 : i32
      %mul3A_140 = arith.muli %scan3A_138, %mul3A_139 : i32
      %add3A_141 = arith.constant 0 : i32
      %add3A_142 = arith.addi %add3A_141, %mul3A_140 : i32
      %get3A_143 = arith.index_cast %add3A_142 : i32 to index
      %get3A_144 = tpu.vector_load %arg5[%get3A_143] {strides = array<i32>} : memref<512xi32, #tpu.memory_space<vmem>>, vector<16xi32>,
      %shift_right_arithmetic3A_145 = arith.constant 10 : i32
      %shift_right_arithmetic3A_146 = vector.broadcast %shift_right_arithmetic3A_145 : i32 to vector<16xi32>
      %shift_right_arithmetic3A_147 = arith.shrsi %get3A_144, %shift_right_arithmetic3A_146 : vector<16xi32>
      %shift_left3A_148 = arith.constant 10 : i32
      %shift_left3A_149 = vector.broadcast %shift_left3A_148 : i32 to vector<16xi32>
      %shift_left3A_150 = arith.shli %shift_right_arithmetic3A_147, %shift_left3A_149 : vector<16xi32>
      %and3A_151 = arith.constant 511 : i32
      %and3A_152 = vector.broadcast %and3A_151 : i32 to vector<16xi32>
      %and3A_153 = arith.andi %get3A_144, %and3A_152 : vector<16xi32>
      %shift_left3A_154 = arith.constant 1 : i32
      %shift_left3A_155 = vector.broadcast %shift_left3A_154 : i32 to vector<16xi32>
      %shift_left3A_156 = arith.shli %and3A_153, %shift_left3A_155 : vector<16xi32>
      %add3A_157 = arith.addi %shift_left3A_150, %shift_left3A_156 : vector<16xi32>
      %shift_right_arithmetic3A_158 = arith.constant 9 : i32
      %shift_right_arithmetic3A_159 = vector.broadcast %shift_right_arithmetic3A_158 : i32 to vector<16xi32>
      %shift_right_arithmetic3A_160 = arith.shrsi %get3A_144, %shift_right_arithmetic3A_159 : vector<16xi32>
      %and3A_161 = arith.constant 1 : i32
      %and3A_162 = vector.broadcast %and3A_161 : i32 to vector<16xi32>
      %and3A_163 = arith.andi %shift_right_arithmetic3A_160, %and3A_162 : vector<16xi32>
      %add3A_164 = arith.addi %add3A_157, %and3A_163 : vector<16xi32>
      %mul3A_165 = arith.constant 16 : i32
      %mul3A_166 = arith.muli %scan3A_138, %mul3A_165 : i32
      %swap3A_167 = arith.constant 0 : i32
      %swap3A_168 = arith.index_cast %swap3A_167 : i32 to index
      %swap3A_169 = arith.index_cast %mul3A_166 : i32 to index
      %swap3A_170 = tpu.vector_load %arg6[%swap3A_168, %swap3A_169] {strides = array<i32>} : memref<2x256xi32, #tpu.memory_space<vmem>>, vector<16xi32>,
      tpu.vector_store %arg6[%swap3A_168, %swap3A_169], %add3A_164 {strides = array<i32>} : memref<2x256xi32, #tpu.memory_space<vmem>>, vector<16xi32>,
    }
    %scan3A_22 = arith.constant 16 : i32
    %scan3A_23 = arith.constant 0 : i32
    %scan3A_24 = arith.constant 0 : i32
    %scan3A_25 = arith.constant 16 : i32
    %scan3A_26 = arith.addi %scan3A_24, %scan3A_25 : i32
    %scan3A_27 = arith.constant 4 : i32
    scf.for %scan3A_41 = %scan3A_24 to %scan3A_26 step %scan3A_27  : i32 {
      %mul3A_42 = arith.constant 16 : i32
      %mul3A_43 = arith.muli %scan3A_41, %mul3A_42 : i32
      %add3A_44 = arith.constant 256 : i32
      %add3A_45 = arith.addi %add3A_44, %mul3A_43 : i32
      %get3A = arith.index_cast %add3A_45 : i32 to index
      %get3A_46 = tpu.vector_load %arg5[%get3A] {strides = array<i32>} : memref<512xi32, #tpu.memory_space<vmem>>, vector<16xi32>,
      %shift_right_arithmetic3A = arith.constant 10 : i32
      %shift_right_arithmetic3A_47 = vector.broadcast %shift_right_arithmetic3A : i32 to vector<16xi32>
      %shift_right_arithmetic3A_48 = arith.shrsi %get3A_46, %shift_right_arithmetic3A_47 : vector<16xi32>
      %shift_left3A = arith.constant 10 : i32
      %shift_left3A_49 = vector.broadcast %shift_left3A : i32 to vector<16xi32>
      %shift_left3A_50 = arith.shli %shift_right_arithmetic3A_48, %shift_left3A_49 : vector<16xi32>
      %and3A = arith.constant 511 : i32
      %and3A_51 = vector.broadcast %and3A : i32 to vector<16xi32>
      %and3A_52 = arith.andi %get3A_46, %and3A_51 : vector<16xi32>
      %shift_left3A_53 = arith.constant 1 : i32
      %shift_left3A_54 = vector.broadcast %shift_left3A_53 : i32 to vector<16xi32>
      %shift_left3A_55 = arith.shli %and3A_52, %shift_left3A_54 : vector<16xi32>
      %add3A_56 = arith.addi %shift_left3A_50, %shift_left3A_55 : vector<16xi32>
      %shift_right_arithmetic3A_57 = arith.constant 9 : i32
      %shift_right_arithmetic3A_58 = vector.broadcast %shift_right_arithmetic3A_57 : i32 to vector<16xi32>
      %shift_right_arithmetic3A_59 = arith.shrsi %get3A_46, %shift_right_arithmetic3A_58 : vector<16xi32>
      %and3A_60 = arith.constant 1 : i32
      %and3A_61 = vector.broadcast %and3A_60 : i32 to vector<16xi32>
      %and3A_62 = arith.andi %shift_right_arithmetic3A_59, %and3A_61 : vector<16xi32>
      %add3A_63 = arith.addi %add3A_56, %and3A_62 : vector<16xi32>
      %mul3A_64 = arith.constant 16 : i32
      %mul3A_65 = arith.muli %scan3A_41, %mul3A_64 : i32
      %swap3A = arith.constant 1 : i32
      %swap3A_66 = arith.index_cast %swap3A : i32 to index
      %swap3A_67 = arith.index_cast %mul3A_65 : i32 to index
      %swap3A_68 = tpu.vector_load %arg6[%swap3A_66, %swap3A_67] {strides = array<i32>} : memref<2x256xi32, #tpu.memory_space<vmem>>, vector<16xi32>,
      tpu.vector_store %arg6[%swap3A_66, %swap3A_67], %add3A_63 {strides = array<i32>} : memref<2x256xi32, #tpu.memory_space<vmem>>, vector<16xi32>,
      %scan3A_69 = arith.constant 1 : i32
      %scan3A_70 = arith.addi %scan3A_41, %scan3A_69 : i32
      %mul3A_71 = arith.constant 16 : i32
      %mul3A_72 = arith.muli %scan3A_70, %mul3A_71 : i32
      %add3A_73 = arith.constant 256 : i32
      %add3A_74 = arith.addi %add3A_73, %mul3A_72 : i32
      %get3A_75 = arith.index_cast %add3A_74 : i32 to index
      %get3A_76 = tpu.vector_load %arg5[%get3A_75] {strides = array<i32>} : memref<512xi32, #tpu.memory_space<vmem>>, vector<16xi32>,
      %shift_right_arithmetic3A_77 = arith.constant 10 : i32
      %shift_right_arithmetic3A_78 = vector.broadcast %shift_right_arithmetic3A_77 : i32 to vector<16xi32>
      %shift_right_arithmetic3A_79 = arith.shrsi %get3A_76, %shift_right_arithmetic3A_78 : vector<16xi32>
      %shift_left3A_80 = arith.constant 10 : i32
      %shift_left3A_81 = vector.broadcast %shift_left3A_80 : i32 to vector<16xi32>
      %shift_left3A_82 = arith.shli %shift_right_arithmetic3A_79, %shift_left3A_81 : vector<16xi32>
      %and3A_83 = arith.constant 511 : i32
      %and3A_84 = vector.broadcast %and3A_83 : i32 to vector<16xi32>
      %and3A_85 = arith.andi %get3A_76, %and3A_84 : vector<16xi32>
      %shift_left3A_86 = arith.constant 1 : i32
      %shift_left3A_87 = vector.broadcast %shift_left3A_86 : i32 to vector<16xi32>
      %shift_left3A_88 = arith.shli %and3A_85, %shift_left3A_87 : vector<16xi32>
      %add3A_89 = arith.addi %shift_left3A_82, %shift_left3A_88 : vector<16xi32>
      %shift_right_arithmetic3A_90 = arith.constant 9 : i32
      %shift_right_arithmetic3A_91 = vector.broadcast %shift_right_arithmetic3A_90 : i32 to vector<16xi32>
      %shift_right_arithmetic3A_92 = arith.shrsi %get3A_76, %shift_right_arithmetic3A_91 : vector<16xi32>
      %and3A_93 = arith.constant 1 : i32
      %and3A_94 = vector.broadcast %and3A_93 : i32 to vector<16xi32>
      %and3A_95 = arith.andi %shift_right_arithmetic3A_92, %and3A_94 : vector<16xi32>
      %add3A_96 = arith.addi %add3A_89, %and3A_95 : vector<16xi32>
      %mul3A_97 = arith.constant 16 : i32
      %mul3A_98 = arith.muli %scan3A_70, %mul3A_97 : i32
      %swap3A_99 = arith.constant 1 : i32
      %swap3A_100 = arith.index_cast %swap3A_99 : i32 to index
      %swap3A_101 = arith.index_cast %mul3A_98 : i32 to index
      %swap3A_102 = tpu.vector_load %arg6[%swap3A_100, %swap3A_101] {strides = array<i32>} : memref<2x256xi32, #tpu.memory_space<vmem>>, vector<16xi32>,
      tpu.vector_store %arg6[%swap3A_100, %swap3A_101], %add3A_96 {strides = array<i32>} : memref<2x256xi32, #tpu.memory_space<vmem>>, vector<16xi32>,
      %scan3A_103 = arith.constant 2 : i32
      %scan3A_104 = arith.addi %scan3A_41, %scan3A_103 : i32
      %mul3A_105 = arith.constant 16 : i32
      %mul3A_106 = arith.muli %scan3A_104, %mul3A_105 : i32
      %add3A_107 = arith.constant 256 : i32
      %add3A_108 = arith.addi %add3A_107, %mul3A_106 : i32
      %get3A_109 = arith.index_cast %add3A_108 : i32 to index
      %get3A_110 = tpu.vector_load %arg5[%get3A_109] {strides = array<i32>} : memref<512xi32, #tpu.memory_space<vmem>>, vector<16xi32>,
      %shift_right_arithmetic3A_111 = arith.constant 10 : i32
      %shift_right_arithmetic3A_112 = vector.broadcast %shift_right_arithmetic3A_111 : i32 to vector<16xi32>
      %shift_right_arithmetic3A_113 = arith.shrsi %get3A_110, %shift_right_arithmetic3A_112 : vector<16xi32>
      %shift_left3A_114 = arith.constant 10 : i32
      %shift_left3A_115 = vector.broadcast %shift_left3A_114 : i32 to vector<16xi32>
      %shift_left3A_116 = arith.shli %shift_right_arithmetic3A_113, %shift_left3A_115 : vector<16xi32>
      %and3A_117 = arith.constant 511 : i32
      %and3A_118 = vector.broadcast %and3A_117 : i32 to vector<16xi32>
      %and3A_119 = arith.andi %get3A_110, %and3A_118 : vector<16xi32>
      %shift_left3A_120 = arith.constant 1 : i32
      %shift_left3A_121 = vector.broadcast %shift_left3A_120 : i32 to vector<16xi32>
      %shift_left3A_122 = arith.shli %and3A_119, %shift_left3A_121 : vector<16xi32>
      %add3A_123 = arith.addi %shift_left3A_116, %shift_left3A_122 : vector<16xi32>
      %shift_right_arithmetic3A_124 = arith.constant 9 : i32
      %shift_right_arithmetic3A_125 = vector.broadcast %shift_right_arithmetic3A_124 : i32 to vector<16xi32>
      %shift_right_arithmetic3A_126 = arith.shrsi %get3A_110, %shift_right_arithmetic3A_125 : vector<16xi32>
      %and3A_127 = arith.constant 1 : i32
      %and3A_128 = vector.broadcast %and3A_127 : i32 to vector<16xi32>
      %and3A_129 = arith.andi %shift_right_arithmetic3A_126, %and3A_128 : vector<16xi32>
      %add3A_130 = arith.addi %add3A_123, %and3A_129 : vector<16xi32>
      %mul3A_131 = arith.constant 16 : i32
      %mul3A_132 = arith.muli %scan3A_104, %mul3A_131 : i32
      %swap3A_133 = arith.constant 1 : i32
      %swap3A_134 = arith.index_cast %swap3A_133 : i32 to index
      %swap3A_135 = arith.index_cast %mul3A_132 : i32 to index
      %swap3A_136 = tpu.vector_load %arg6[%swap3A_134, %swap3A_135] {strides = array<i32>} : memref<2x256xi32, #tpu.memory_space<vmem>>, vector<16xi32>,
      tpu.vector_store %arg6[%swap3A_134, %swap3A_135], %add3A_130 {strides = array<i32>} : memref<2x256xi32, #tpu.memory_space<vmem>>, vector<16xi32>,
      %scan3A_137 = arith.constant 3 : i32
      %scan3A_138 = arith.addi %scan3A_41, %scan3A_137 : i32
      %mul3A_139 = arith.constant 16 : i32
      %mul3A_140 = arith.muli %scan3A_138, %mul3A_139 : i32
      %add3A_141 = arith.constant 256 : i32
      %add3A_142 = arith.addi %add3A_141, %mul3A_140 : i32
      %get3A_143 = arith.index_cast %add3A_142 : i32 to index
      %get3A_144 = tpu.vector_load %arg5[%get3A_143] {strides = array<i32>} : memref<512xi32, #tpu.memory_space<vmem>>, vector<16xi32>,
      %shift_right_arithmetic3A_145 = arith.constant 10 : i32
      %shift_right_arithmetic3A_146 = vector.broadcast %shift_right_arithmetic3A_145 : i32 to vector<16xi32>
      %shift_right_arithmetic3A_147 = arith.shrsi %get3A_144, %shift_right_arithmetic3A_146 : vector<16xi32>
      %shift_left3A_148 = arith.constant 10 : i32
      %shift_left3A_149 = vector.broadcast %shift_left3A_148 : i32 to vector<16xi32>
      %shift_left3A_150 = arith.shli %shift_right_arithmetic3A_147, %shift_left3A_149 : vector<16xi32>
      %and3A_151 = arith.constant 511 : i32
      %and3A_152 = vector.broadcast %and3A_151 : i32 to vector<16xi32>
      %and3A_153 = arith.andi %get3A_144, %and3A_152 : vector<16xi32>
      %shift_left3A_154 = arith.constant 1 : i32
      %shift_left3A_155 = vector.broadcast %shift_left3A_154 : i32 to vector<16xi32>
      %shift_left3A_156 = arith.shli %and3A_153, %shift_left3A_155 : vector<16xi32>
      %add3A_157 = arith.addi %shift_left3A_150, %shift_left3A_156 : vector<16xi32>
      %shift_right_arithmetic3A_158 = arith.constant 9 : i32
      %shift_right_arithmetic3A_159 = vector.broadcast %shift_right_arithmetic3A_158 : i32 to vector<16xi32>
      %shift_right_arithmetic3A_160 = arith.shrsi %get3A_144, %shift_right_arithmetic3A_159 : vector<16xi32>
      %and3A_161 = arith.constant 1 : i32
      %and3A_162 = vector.broadcast %and3A_161 : i32 to vector<16xi32>
      %and3A_163 = arith.andi %shift_right_arithmetic3A_160, %and3A_162 : vector<16xi32>
      %add3A_164 = arith.addi %add3A_157, %and3A_163 : vector<16xi32>
      %mul3A_165 = arith.constant 16 : i32
      %mul3A_166 = arith.muli %scan3A_138, %mul3A_165 : i32
      %swap3A_167 = arith.constant 1 : i32
      %swap3A_168 = arith.index_cast %swap3A_167 : i32 to index
      %swap3A_169 = arith.index_cast %mul3A_166 : i32 to index
      %swap3A_170 = tpu.vector_load %arg6[%swap3A_168, %swap3A_169] {strides = array<i32>} : memref<2x256xi32, #tpu.memory_space<vmem>>, vector<16xi32>,
      tpu.vector_store %arg6[%swap3A_168, %swap3A_169], %add3A_164 {strides = array<i32>} : memref<2x256xi32, #tpu.memory_space<vmem>>, vector<16xi32>,
    }
    %scan3A_28 = arith.constant 16 : i32
    %dma_start3A = arith.constant 0 : i32
    %dma_start3A_29 = arith.constant 0 : i32
    %dma_start3A_30 = tpu.memref_slice %arg6[%dma_start3A, %dma_start3A_29] : memref<2x256xi32, #tpu.memory_space<vmem>> -> memref<1x256xi32, #tpu.memory_space<vmem>>
    %dma_start3A_31 = tpu.memref_squeeze %dma_start3A_30 : memref<1x256xi32, #tpu.memory_space<vmem>> -> memref<256xi32, #tpu.memory_space<vmem>>
    %dma_start3A_32 = arith.constant 0 : i32
    %dma_start3A_33 = arith.constant 0 : i32
    %dma_start3A_34 = tpu.memref_slice %arg2[%dma_start3A_32, %dma_start3A_33] : memref<1000448x64xf32, #tpu.memory_space<hbm>> -> memref<1000448x64xf32, #tpu.memory_space<hbm>>
    tpu.enqueue_indirect_dma source(%dma_start3A_34 : memref<1000448x64xf32, #tpu.memory_space<hbm>>) target(%arg7 : memref<256x64xf32, #tpu.memory_space<vmem>>) offsets(%dma_start3A_31 : memref<256xi32, #tpu.memory_space<vmem>>) semaphore(%arg10 : memref<!tpu.dma_semaphore, #tpu.memory_space<semaphore_mem>>)
    %scan3A_35 = arith.constant 0 : i32
    %scan3A_36 = arith.constant 0 : i32
    %scan3A_37 = arith.constant 20 : i32
    %scan3A_38 = arith.addi %scan3A_36, %scan3A_37 : i32
    %scan3A_39 = arith.constant 1 : i32
    scf.for %scan3A_41 = %scan3A_36 to %scan3A_38 step %scan3A_39  : i32 {
      %dma_start3A_42 = arith.constant 1 : i32
      %dma_start3A_43 = arith.constant 0 : i32
      %dma_start3A_44 = tpu.memref_slice %arg6[%dma_start3A_42, %dma_start3A_43] : memref<2x256xi32, #tpu.memory_space<vmem>> -> memref<1x256xi32, #tpu.memory_space<vmem>>
      %dma_start3A_45 = tpu.memref_squeeze %dma_start3A_44 : memref<1x256xi32, #tpu.memory_space<vmem>> -> memref<256xi32, #tpu.memory_space<vmem>>
      %dma_start3A_46 = arith.constant 0 : i32
      %dma_start3A_47 = arith.constant 0 : i32
      %dma_start3A_48 = tpu.memref_slice %arg2[%dma_start3A_46, %dma_start3A_47] : memref<1000448x64xf32, #tpu.memory_space<hbm>> -> memref<1000448x64xf32, #tpu.memory_space<hbm>>
      tpu.enqueue_indirect_dma source(%dma_start3A_48 : memref<1000448x64xf32, #tpu.memory_space<hbm>>) target(%arg8 : memref<256x64xf32, #tpu.memory_space<vmem>>) offsets(%dma_start3A_45 : memref<256xi32, #tpu.memory_space<vmem>>) semaphore(%arg11 : memref<!tpu.dma_semaphore, #tpu.memory_space<semaphore_mem>>)
      %dma_wait3A = arith.constant 0 : i32
      %dma_wait3A_49 = arith.constant 0 : i32
      %dma_wait3A_50 = tpu.memref_slice %arg6[%dma_wait3A, %dma_wait3A_49] : memref<2x256xi32, #tpu.memory_space<vmem>> -> memref<1x256xi32, #tpu.memory_space<vmem>>
      %dma_wait3A_51 = tpu.memref_squeeze %dma_wait3A_50 : memref<1x256xi32, #tpu.memory_space<vmem>> -> memref<256xi32, #tpu.memory_space<vmem>>
      %dma_wait3A_52 = arith.constant 0 : i32
      %dma_wait3A_53 = arith.constant 0 : i32
      %dma_wait3A_54 = tpu.memref_slice %arg2[%dma_wait3A_52, %dma_wait3A_53] : memref<1000448x64xf32, #tpu.memory_space<hbm>> -> memref<1000448x64xf32, #tpu.memory_space<hbm>>
      tpu.wait_indirect_dma semaphore(%arg10 : memref<!tpu.dma_semaphore, #tpu.memory_space<semaphore_mem>>) src(%dma_wait3A_54 : memref<1000448x64xf32, #tpu.memory_space<hbm>>) dst(%arg7 : memref<256x64xf32, #tpu.memory_space<vmem>>)
      %parallel_loop3A = arith.constant 0 : i32
      %parallel_loop3A_55 = arith.constant 256 : i32
      %parallel_loop3A_56 = arith.constant 1 : i32
      scf.for %parallel_loop3A_86 = %parallel_loop3A to %parallel_loop3A_55 step %parallel_loop3A_56  : i32 {
        %parallel_loop3A_87 = arith.constant 0 : i32
        %parallel_loop3A_88 = vector.broadcast %parallel_loop3A_87 : i32 to vector<16xi32>
        %parallel_loop3A_89 = vector.broadcast %parallel_loop3A_86 : i32 to vector<16xi32>
        %parallel_loop3A_90 = arith.addi %parallel_loop3A_88, %parallel_loop3A_89 : vector<16xi32>
        %parallel_loop3A_91 = arith.index_cast %parallel_loop3A_86 : i32 to index
        %parallel_loop3A_92 = arith.constant 0 : index
        %parallel_loop3A_93 = tpu.vector_load %arg7[%parallel_loop3A_91, %parallel_loop3A_92] {strides = array<i32>} : memref<256x64xf32, #tpu.memory_space<vmem>>, vector<16xf32>,
        tpu.vector_store_idx %arg9[%add3A_5, %parallel_loop3A_90], %parallel_loop3A_93 : memref<64x257xf32, #tpu.memory_space<vmem>>[vector<16xi32>, vector<16xi32>], vector<16xf32>,
        %parallel_loop3A_94 = arith.index_cast %parallel_loop3A_86 : i32 to index
        %parallel_loop3A_95 = arith.constant 16 : index
        %parallel_loop3A_96 = tpu.vector_load %arg7[%parallel_loop3A_94, %parallel_loop3A_95] {strides = array<i32>} : memref<256x64xf32, #tpu.memory_space<vmem>>, vector<16xf32>,
        tpu.vector_store_idx %arg9[%add3A_9, %parallel_loop3A_90], %parallel_loop3A_96 : memref<64x257xf32, #tpu.memory_space<vmem>>[vector<16xi32>, vector<16xi32>], vector<16xf32>,
        %parallel_loop3A_97 = arith.index_cast %parallel_loop3A_86 : i32 to index
        %parallel_loop3A_98 = arith.constant 32 : index
        %parallel_loop3A_99 = tpu.vector_load %arg7[%parallel_loop3A_97, %parallel_loop3A_98] {strides = array<i32>} : memref<256x64xf32, #tpu.memory_space<vmem>>, vector<16xf32>,
        tpu.vector_store_idx %arg9[%add3A_13, %parallel_loop3A_90], %parallel_loop3A_99 : memref<64x257xf32, #tpu.memory_space<vmem>>[vector<16xi32>, vector<16xi32>], vector<16xf32>,
        %parallel_loop3A_100 = arith.index_cast %parallel_loop3A_86 : i32 to index
        %parallel_loop3A_101 = arith.constant 48 : index
        %parallel_loop3A_102 = tpu.vector_load %arg7[%parallel_loop3A_100, %parallel_loop3A_101] {strides = array<i32>} : memref<256x64xf32, #tpu.memory_space<vmem>>, vector<16xf32>,
        tpu.vector_store_idx %arg9[%add3A_17, %parallel_loop3A_90], %parallel_loop3A_102 : memref<64x257xf32, #tpu.memory_space<vmem>>[vector<16xi32>, vector<16xi32>], vector<16xf32>,
      } {sc.loop_unroll_factor = 2 : i64, sc.parallel_access}
      %mul3A_57 = arith.constant 64 : i32
      %mul3A_58 = arith.muli %scan3A_41, %mul3A_57 : i32
      %add3A_59 = arith.constant 0 : i32
      %add3A_60 = arith.addi %mul3A_2, %add3A_59 : i32
      "tpu.region"() ({
        %run_scoped3A_86 = tpu.sem_alloc : memref<!tpu.dma_semaphore, #tpu.memory_space<semaphore_mem>>
        %dma_start3A_87 = arith.constant 0 : i32
        %dma_start3A_88 = arith.constant 0 : i32
        %dma_start3A_89 = tpu.memref_slice %arg9[%dma_start3A_87, %dma_start3A_88] : memref<64x257xf32, #tpu.memory_space<vmem>> -> memref<64x256xf32, #tpu.memory_space<vmem>>
        %dma_start3A_90 = tpu.memref_slice %arg4[%mul3A_58, %add3A_60] : memref<1280x16384xf32, #tpu.memory_space<hbm>> -> memref<64x256xf32, #tpu.memory_space<hbm>>
        %dma_start3A_91 = tpu.memref_slice %arg4[%mul3A_58, %add3A_60] : memref<1280x16384xf32, #tpu.memory_space<hbm>> -> memref<64x256xf32, #tpu.memory_space<hbm>>
        %dma_start3A_92 = arith.constant 0 : i32
        %dma_start3A_93 = arith.constant 0 : i32
        %dma_start3A_94 = tpu.memref_slice %arg9[%dma_start3A_92, %dma_start3A_93] : memref<64x257xf32, #tpu.memory_space<vmem>> -> memref<64x256xf32, #tpu.memory_space<vmem>>
        tpu.enqueue_dma source(%dma_start3A_94 : memref<64x256xf32, #tpu.memory_space<vmem>>) target(%dma_start3A_91 : memref<64x256xf32, #tpu.memory_space<hbm>>) target_semaphore(%run_scoped3A_86 : memref<!tpu.dma_semaphore, #tpu.memory_space<semaphore_mem>>)
        %dma_wait3A_95 = arith.constant 0 : i32
        %dma_wait3A_96 = arith.constant 0 : i32
        %dma_wait3A_97 = tpu.memref_slice %arg9[%dma_wait3A_95, %dma_wait3A_96] : memref<64x257xf32, #tpu.memory_space<vmem>> -> memref<64x256xf32, #tpu.memory_space<vmem>>
        %dma_wait3A_98 = tpu.memref_slice %arg4[%mul3A_58, %add3A_60] : memref<1280x16384xf32, #tpu.memory_space<hbm>> -> memref<64x256xf32, #tpu.memory_space<hbm>>
        %dma_wait3A_99 = tpu.memref_slice %arg4[%mul3A_58, %add3A_60] : memref<1280x16384xf32, #tpu.memory_space<hbm>> -> memref<64x256xf32, #tpu.memory_space<hbm>>
        %dma_wait3A_100 = arith.constant 0 : i32
        %dma_wait3A_101 = arith.constant 0 : i32
        %dma_wait3A_102 = tpu.memref_slice %arg9[%dma_wait3A_100, %dma_wait3A_101] : memref<64x257xf32, #tpu.memory_space<vmem>> -> memref<64x256xf32, #tpu.memory_space<vmem>>
        tpu.wait_dma2 semaphore(%run_scoped3A_86 : memref<!tpu.dma_semaphore, #tpu.memory_space<semaphore_mem>>) src(%dma_wait3A_102 : memref<64x256xf32, #tpu.memory_space<vmem>>) dst(%dma_wait3A_99 : memref<64x256xf32, #tpu.memory_space<hbm>>)
        tpu.yield
      }) : () -> ()
      %add3A_61 = arith.constant 1 : i32
      %add3A_62 = arith.addi %scan3A_41, %add3A_61 : i32
      %lt3A = arith.constant 20 : i32
      %lt3A_63 = arith.cmpi slt, %add3A_62, %lt3A : i32
      %convert_element_type3A = arith.extui %lt3A_63 : i1 to i32
      %cond3A = arith.constant 0 : i32
      %cond3A_64 = arith.cmpi ne, %convert_element_type3A, %cond3A : i32
      scf.if %cond3A_64 {
        %add3A_86 = arith.constant 1 : i32
        %add3A_87 = arith.addi %scan3A_41, %add3A_86 : i32
        "tpu.region"() ({
          %run_scoped3A_103 = tpu.sem_alloc : memref<!tpu.dma_semaphore, #tpu.memory_space<semaphore_mem>>
          %dma_start3A_104 = tpu.memref_slice %arg3[%add3A_87, %mul3A_2] : memref<20x16384xi32, #tpu.memory_space<hbm>> -> memref<1x512xi32, #tpu.memory_space<hbm>>
          %dma_start3A_105 = tpu.memref_squeeze %dma_start3A_104 : memref<1x512xi32, #tpu.memory_space<hbm>> -> memref<512xi32, #tpu.memory_space<hbm>>
          %dma_start3A_106 = tpu.memref_slice %arg3[%add3A_87, %mul3A_2] : memref<20x16384xi32, #tpu.memory_space<hbm>> -> memref<1x512xi32, #tpu.memory_space<hbm>>
          %dma_start3A_107 = tpu.memref_squeeze %dma_start3A_106 : memref<1x512xi32, #tpu.memory_space<hbm>> -> memref<512xi32, #tpu.memory_space<hbm>>
          tpu.enqueue_dma source(%dma_start3A_107 : memref<512xi32, #tpu.memory_space<hbm>>) target(%arg5 : memref<512xi32, #tpu.memory_space<vmem>>) target_semaphore(%run_scoped3A_103 : memref<!tpu.dma_semaphore, #tpu.memory_space<semaphore_mem>>)
          %dma_wait3A_108 = tpu.memref_slice %arg3[%add3A_87, %mul3A_2] : memref<20x16384xi32, #tpu.memory_space<hbm>> -> memref<1x512xi32, #tpu.memory_space<hbm>>
          %dma_wait3A_109 = tpu.memref_squeeze %dma_wait3A_108 : memref<1x512xi32, #tpu.memory_space<hbm>> -> memref<512xi32, #tpu.memory_space<hbm>>
          %dma_wait3A_110 = tpu.memref_slice %arg3[%add3A_87, %mul3A_2] : memref<20x16384xi32, #tpu.memory_space<hbm>> -> memref<1x512xi32, #tpu.memory_space<hbm>>
          %dma_wait3A_111 = tpu.memref_squeeze %dma_wait3A_110 : memref<1x512xi32, #tpu.memory_space<hbm>> -> memref<512xi32, #tpu.memory_space<hbm>>
          tpu.wait_dma2 semaphore(%run_scoped3A_103 : memref<!tpu.dma_semaphore, #tpu.memory_space<semaphore_mem>>) src(%dma_wait3A_111 : memref<512xi32, #tpu.memory_space<hbm>>) dst(%arg5 : memref<512xi32, #tpu.memory_space<vmem>>)
          tpu.yield
        }) : () -> ()
        %add3A_88 = arith.constant 1 : i32
        %add3A_89 = arith.addi %scan3A_41, %add3A_88 : i32
        %scan3A_90 = arith.constant 0 : i32
        %scan3A_91 = arith.constant 0 : i32
        %scan3A_92 = arith.constant 16 : i32
        %scan3A_93 = arith.addi %scan3A_91, %scan3A_92 : i32
        %scan3A_94 = arith.constant 4 : i32
        scf.for %scan3A_103 = %scan3A_91 to %scan3A_93 step %scan3A_94  : i32 {
          %mul3A_104 = arith.constant 16 : i32
          %mul3A_105 = arith.muli %scan3A_103, %mul3A_104 : i32
          %add3A_106 = arith.constant 0 : i32
          %add3A_107 = arith.addi %add3A_106, %mul3A_105 : i32
          %get3A = arith.index_cast %add3A_107 : i32 to index
          %get3A_108 = tpu.vector_load %arg5[%get3A] {strides = array<i32>} : memref<512xi32, #tpu.memory_space<vmem>>, vector<16xi32>,
          %shift_right_arithmetic3A = arith.constant 10 : i32
          %shift_right_arithmetic3A_109 = vector.broadcast %shift_right_arithmetic3A : i32 to vector<16xi32>
          %shift_right_arithmetic3A_110 = arith.shrsi %get3A_108, %shift_right_arithmetic3A_109 : vector<16xi32>
          %shift_left3A = arith.constant 10 : i32
          %shift_left3A_111 = vector.broadcast %shift_left3A : i32 to vector<16xi32>
          %shift_left3A_112 = arith.shli %shift_right_arithmetic3A_110, %shift_left3A_111 : vector<16xi32>
          %and3A = arith.constant 511 : i32
          %and3A_113 = vector.broadcast %and3A : i32 to vector<16xi32>
          %and3A_114 = arith.andi %get3A_108, %and3A_113 : vector<16xi32>
          %shift_left3A_115 = arith.constant 1 : i32
          %shift_left3A_116 = vector.broadcast %shift_left3A_115 : i32 to vector<16xi32>
          %shift_left3A_117 = arith.shli %and3A_114, %shift_left3A_116 : vector<16xi32>
          %add3A_118 = arith.addi %shift_left3A_112, %shift_left3A_117 : vector<16xi32>
          %shift_right_arithmetic3A_119 = arith.constant 9 : i32
          %shift_right_arithmetic3A_120 = vector.broadcast %shift_right_arithmetic3A_119 : i32 to vector<16xi32>
          %shift_right_arithmetic3A_121 = arith.shrsi %get3A_108, %shift_right_arithmetic3A_120 : vector<16xi32>
          %and3A_122 = arith.constant 1 : i32
          %and3A_123 = vector.broadcast %and3A_122 : i32 to vector<16xi32>
          %and3A_124 = arith.andi %shift_right_arithmetic3A_121, %and3A_123 : vector<16xi32>
          %add3A_125 = arith.addi %add3A_118, %and3A_124 : vector<16xi32>
          %mul3A_126 = arith.constant 16 : i32
          %mul3A_127 = arith.muli %scan3A_103, %mul3A_126 : i32
          %swap3A = arith.constant 0 : i32
          %swap3A_128 = arith.index_cast %swap3A : i32 to index
          %swap3A_129 = arith.index_cast %mul3A_127 : i32 to index
          %swap3A_130 = tpu.vector_load %arg6[%swap3A_128, %swap3A_129] {strides = array<i32>} : memref<2x256xi32, #tpu.memory_space<vmem>>, vector<16xi32>,
          tpu.vector_store %arg6[%swap3A_128, %swap3A_129], %add3A_125 {strides = array<i32>} : memref<2x256xi32, #tpu.memory_space<vmem>>, vector<16xi32>,
          %scan3A_131 = arith.constant 1 : i32
          %scan3A_132 = arith.addi %scan3A_103, %scan3A_131 : i32
          %mul3A_133 = arith.constant 16 : i32
          %mul3A_134 = arith.muli %scan3A_132, %mul3A_133 : i32
          %add3A_135 = arith.constant 0 : i32
          %add3A_136 = arith.addi %add3A_135, %mul3A_134 : i32
          %get3A_137 = arith.index_cast %add3A_136 : i32 to index
          %get3A_138 = tpu.vector_load %arg5[%get3A_137] {strides = array<i32>} : memref<512xi32, #tpu.memory_space<vmem>>, vector<16xi32>,
          %shift_right_arithmetic3A_139 = arith.constant 10 : i32
          %shift_right_arithmetic3A_140 = vector.broadcast %shift_right_arithmetic3A_139 : i32 to vector<16xi32>
          %shift_right_arithmetic3A_141 = arith.shrsi %get3A_138, %shift_right_arithmetic3A_140 : vector<16xi32>
          %shift_left3A_142 = arith.constant 10 : i32
          %shift_left3A_143 = vector.broadcast %shift_left3A_142 : i32 to vector<16xi32>
          %shift_left3A_144 = arith.shli %shift_right_arithmetic3A_141, %shift_left3A_143 : vector<16xi32>
          %and3A_145 = arith.constant 511 : i32
          %and3A_146 = vector.broadcast %and3A_145 : i32 to vector<16xi32>
          %and3A_147 = arith.andi %get3A_138, %and3A_146 : vector<16xi32>
          %shift_left3A_148 = arith.constant 1 : i32
          %shift_left3A_149 = vector.broadcast %shift_left3A_148 : i32 to vector<16xi32>
          %shift_left3A_150 = arith.shli %and3A_147, %shift_left3A_149 : vector<16xi32>
          %add3A_151 = arith.addi %shift_left3A_144, %shift_left3A_150 : vector<16xi32>
          %shift_right_arithmetic3A_152 = arith.constant 9 : i32
          %shift_right_arithmetic3A_153 = vector.broadcast %shift_right_arithmetic3A_152 : i32 to vector<16xi32>
          %shift_right_arithmetic3A_154 = arith.shrsi %get3A_138, %shift_right_arithmetic3A_153 : vector<16xi32>
          %and3A_155 = arith.constant 1 : i32
          %and3A_156 = vector.broadcast %and3A_155 : i32 to vector<16xi32>
          %and3A_157 = arith.andi %shift_right_arithmetic3A_154, %and3A_156 : vector<16xi32>
          %add3A_158 = arith.addi %add3A_151, %and3A_157 : vector<16xi32>
          %mul3A_159 = arith.constant 16 : i32
          %mul3A_160 = arith.muli %scan3A_132, %mul3A_159 : i32
          %swap3A_161 = arith.constant 0 : i32
          %swap3A_162 = arith.index_cast %swap3A_161 : i32 to index
          %swap3A_163 = arith.index_cast %mul3A_160 : i32 to index
          %swap3A_164 = tpu.vector_load %arg6[%swap3A_162, %swap3A_163] {strides = array<i32>} : memref<2x256xi32, #tpu.memory_space<vmem>>, vector<16xi32>,
          tpu.vector_store %arg6[%swap3A_162, %swap3A_163], %add3A_158 {strides = array<i32>} : memref<2x256xi32, #tpu.memory_space<vmem>>, vector<16xi32>,
          %scan3A_165 = arith.constant 2 : i32
          %scan3A_166 = arith.addi %scan3A_103, %scan3A_165 : i32
          %mul3A_167 = arith.constant 16 : i32
          %mul3A_168 = arith.muli %scan3A_166, %mul3A_167 : i32
          %add3A_169 = arith.constant 0 : i32
          %add3A_170 = arith.addi %add3A_169, %mul3A_168 : i32
          %get3A_171 = arith.index_cast %add3A_170 : i32 to index
          %get3A_172 = tpu.vector_load %arg5[%get3A_171] {strides = array<i32>} : memref<512xi32, #tpu.memory_space<vmem>>, vector<16xi32>,
          %shift_right_arithmetic3A_173 = arith.constant 10 : i32
          %shift_right_arithmetic3A_174 = vector.broadcast %shift_right_arithmetic3A_173 : i32 to vector<16xi32>
          %shift_right_arithmetic3A_175 = arith.shrsi %get3A_172, %shift_right_arithmetic3A_174 : vector<16xi32>
          %shift_left3A_176 = arith.constant 10 : i32
          %shift_left3A_177 = vector.broadcast %shift_left3A_176 : i32 to vector<16xi32>
          %shift_left3A_178 = arith.shli %shift_right_arithmetic3A_175, %shift_left3A_177 : vector<16xi32>
          %and3A_179 = arith.constant 511 : i32
          %and3A_180 = vector.broadcast %and3A_179 : i32 to vector<16xi32>
          %and3A_181 = arith.andi %get3A_172, %and3A_180 : vector<16xi32>
          %shift_left3A_182 = arith.constant 1 : i32
          %shift_left3A_183 = vector.broadcast %shift_left3A_182 : i32 to vector<16xi32>
          %shift_left3A_184 = arith.shli %and3A_181, %shift_left3A_183 : vector<16xi32>
          %add3A_185 = arith.addi %shift_left3A_178, %shift_left3A_184 : vector<16xi32>
          %shift_right_arithmetic3A_186 = arith.constant 9 : i32
          %shift_right_arithmetic3A_187 = vector.broadcast %shift_right_arithmetic3A_186 : i32 to vector<16xi32>
          %shift_right_arithmetic3A_188 = arith.shrsi %get3A_172, %shift_right_arithmetic3A_187 : vector<16xi32>
          %and3A_189 = arith.constant 1 : i32
          %and3A_190 = vector.broadcast %and3A_189 : i32 to vector<16xi32>
          %and3A_191 = arith.andi %shift_right_arithmetic3A_188, %and3A_190 : vector<16xi32>
          %add3A_192 = arith.addi %add3A_185, %and3A_191 : vector<16xi32>
          %mul3A_193 = arith.constant 16 : i32
          %mul3A_194 = arith.muli %scan3A_166, %mul3A_193 : i32
          %swap3A_195 = arith.constant 0 : i32
          %swap3A_196 = arith.index_cast %swap3A_195 : i32 to index
          %swap3A_197 = arith.index_cast %mul3A_194 : i32 to index
          %swap3A_198 = tpu.vector_load %arg6[%swap3A_196, %swap3A_197] {strides = array<i32>} : memref<2x256xi32, #tpu.memory_space<vmem>>, vector<16xi32>,
          tpu.vector_store %arg6[%swap3A_196, %swap3A_197], %add3A_192 {strides = array<i32>} : memref<2x256xi32, #tpu.memory_space<vmem>>, vector<16xi32>,
          %scan3A_199 = arith.constant 3 : i32
          %scan3A_200 = arith.addi %scan3A_103, %scan3A_199 : i32
          %mul3A_201 = arith.constant 16 : i32
          %mul3A_202 = arith.muli %scan3A_200, %mul3A_201 : i32
          %add3A_203 = arith.constant 0 : i32
          %add3A_204 = arith.addi %add3A_203, %mul3A_202 : i32
          %get3A_205 = arith.index_cast %add3A_204 : i32 to index
          %get3A_206 = tpu.vector_load %arg5[%get3A_205] {strides = array<i32>} : memref<512xi32, #tpu.memory_space<vmem>>, vector<16xi32>,
          %shift_right_arithmetic3A_207 = arith.constant 10 : i32
          %shift_right_arithmetic3A_208 = vector.broadcast %shift_right_arithmetic3A_207 : i32 to vector<16xi32>
          %shift_right_arithmetic3A_209 = arith.shrsi %get3A_206, %shift_right_arithmetic3A_208 : vector<16xi32>
          %shift_left3A_210 = arith.constant 10 : i32
          %shift_left3A_211 = vector.broadcast %shift_left3A_210 : i32 to vector<16xi32>
          %shift_left3A_212 = arith.shli %shift_right_arithmetic3A_209, %shift_left3A_211 : vector<16xi32>
          %and3A_213 = arith.constant 511 : i32
          %and3A_214 = vector.broadcast %and3A_213 : i32 to vector<16xi32>
          %and3A_215 = arith.andi %get3A_206, %and3A_214 : vector<16xi32>
          %shift_left3A_216 = arith.constant 1 : i32
          %shift_left3A_217 = vector.broadcast %shift_left3A_216 : i32 to vector<16xi32>
          %shift_left3A_218 = arith.shli %and3A_215, %shift_left3A_217 : vector<16xi32>
          %add3A_219 = arith.addi %shift_left3A_212, %shift_left3A_218 : vector<16xi32>
          %shift_right_arithmetic3A_220 = arith.constant 9 : i32
          %shift_right_arithmetic3A_221 = vector.broadcast %shift_right_arithmetic3A_220 : i32 to vector<16xi32>
          %shift_right_arithmetic3A_222 = arith.shrsi %get3A_206, %shift_right_arithmetic3A_221 : vector<16xi32>
          %and3A_223 = arith.constant 1 : i32
          %and3A_224 = vector.broadcast %and3A_223 : i32 to vector<16xi32>
          %and3A_225 = arith.andi %shift_right_arithmetic3A_222, %and3A_224 : vector<16xi32>
          %add3A_226 = arith.addi %add3A_219, %and3A_225 : vector<16xi32>
          %mul3A_227 = arith.constant 16 : i32
          %mul3A_228 = arith.muli %scan3A_200, %mul3A_227 : i32
          %swap3A_229 = arith.constant 0 : i32
          %swap3A_230 = arith.index_cast %swap3A_229 : i32 to index
          %swap3A_231 = arith.index_cast %mul3A_228 : i32 to index
          %swap3A_232 = tpu.vector_load %arg6[%swap3A_230, %swap3A_231] {strides = array<i32>} : memref<2x256xi32, #tpu.memory_space<vmem>>, vector<16xi32>,
          tpu.vector_store %arg6[%swap3A_230, %swap3A_231], %add3A_226 {strides = array<i32>} : memref<2x256xi32, #tpu.memory_space<vmem>>, vector<16xi32>,
        }
        %scan3A_95 = arith.constant 16 : i32
        %dma_start3A_96 = arith.constant 0 : i32
        %dma_start3A_97 = arith.constant 0 : i32
        %dma_start3A_98 = tpu.memref_slice %arg6[%dma_start3A_96, %dma_start3A_97] : memref<2x256xi32, #tpu.memory_space<vmem>> -> memref<1x256xi32, #tpu.memory_space<vmem>>
        %dma_start3A_99 = tpu.memref_squeeze %dma_start3A_98 : memref<1x256xi32, #tpu.memory_space<vmem>> -> memref<256xi32, #tpu.memory_space<vmem>>
        %dma_start3A_100 = arith.constant 0 : i32
        %dma_start3A_101 = arith.constant 0 : i32
        %dma_start3A_102 = tpu.memref_slice %arg2[%dma_start3A_100, %dma_start3A_101] : memref<1000448x64xf32, #tpu.memory_space<hbm>> -> memref<1000448x64xf32, #tpu.memory_space<hbm>>
        tpu.enqueue_indirect_dma source(%dma_start3A_102 : memref<1000448x64xf32, #tpu.memory_space<hbm>>) target(%arg7 : memref<256x64xf32, #tpu.memory_space<vmem>>) offsets(%dma_start3A_99 : memref<256xi32, #tpu.memory_space<vmem>>) semaphore(%arg10 : memref<!tpu.dma_semaphore, #tpu.memory_space<semaphore_mem>>)
      } else {
      }
      %dma_wait3A_65 = arith.constant 1 : i32
      %dma_wait3A_66 = arith.constant 0 : i32
      %dma_wait3A_67 = tpu.memref_slice %arg6[%dma_wait3A_65, %dma_wait3A_66] : memref<2x256xi32, #tpu.memory_space<vmem>> -> memref<1x256xi32, #tpu.memory_space<vmem>>
      %dma_wait3A_68 = tpu.memref_squeeze %dma_wait3A_67 : memref<1x256xi32, #tpu.memory_space<vmem>> -> memref<256xi32, #tpu.memory_space<vmem>>
      %dma_wait3A_69 = arith.constant 0 : i32
      %dma_wait3A_70 = arith.constant 0 : i32
      %dma_wait3A_71 = tpu.memref_slice %arg2[%dma_wait3A_69, %dma_wait3A_70] : memref<1000448x64xf32, #tpu.memory_space<hbm>> -> memref<1000448x64xf32, #tpu.memory_space<hbm>>
      tpu.wait_indirect_dma semaphore(%arg11 : memref<!tpu.dma_semaphore, #tpu.memory_space<semaphore_mem>>) src(%dma_wait3A_71 : memref<1000448x64xf32, #tpu.memory_space<hbm>>) dst(%arg8 : memref<256x64xf32, #tpu.memory_space<vmem>>)
      %parallel_loop3A_72 = arith.constant 0 : i32
      %parallel_loop3A_73 = arith.constant 256 : i32
      %parallel_loop3A_74 = arith.constant 1 : i32
      scf.for %parallel_loop3A_86 = %parallel_loop3A_72 to %parallel_loop3A_73 step %parallel_loop3A_74  : i32 {
        %parallel_loop3A_87 = arith.constant 0 : i32
        %parallel_loop3A_88 = vector.broadcast %parallel_loop3A_87 : i32 to vector<16xi32>
        %parallel_loop3A_89 = vector.broadcast %parallel_loop3A_86 : i32 to vector<16xi32>
        %parallel_loop3A_90 = arith.addi %parallel_loop3A_88, %parallel_loop3A_89 : vector<16xi32>
        %parallel_loop3A_91 = arith.index_cast %parallel_loop3A_86 : i32 to index
        %parallel_loop3A_92 = arith.constant 0 : index
        %parallel_loop3A_93 = tpu.vector_load %arg8[%parallel_loop3A_91, %parallel_loop3A_92] {strides = array<i32>} : memref<256x64xf32, #tpu.memory_space<vmem>>, vector<16xf32>,
        tpu.vector_store_idx %arg9[%add3A_5, %parallel_loop3A_90], %parallel_loop3A_93 : memref<64x257xf32, #tpu.memory_space<vmem>>[vector<16xi32>, vector<16xi32>], vector<16xf32>,
        %parallel_loop3A_94 = arith.index_cast %parallel_loop3A_86 : i32 to index
        %parallel_loop3A_95 = arith.constant 16 : index
        %parallel_loop3A_96 = tpu.vector_load %arg8[%parallel_loop3A_94, %parallel_loop3A_95] {strides = array<i32>} : memref<256x64xf32, #tpu.memory_space<vmem>>, vector<16xf32>,
        tpu.vector_store_idx %arg9[%add3A_9, %parallel_loop3A_90], %parallel_loop3A_96 : memref<64x257xf32, #tpu.memory_space<vmem>>[vector<16xi32>, vector<16xi32>], vector<16xf32>,
        %parallel_loop3A_97 = arith.index_cast %parallel_loop3A_86 : i32 to index
        %parallel_loop3A_98 = arith.constant 32 : index
        %parallel_loop3A_99 = tpu.vector_load %arg8[%parallel_loop3A_97, %parallel_loop3A_98] {strides = array<i32>} : memref<256x64xf32, #tpu.memory_space<vmem>>, vector<16xf32>,
        tpu.vector_store_idx %arg9[%add3A_13, %parallel_loop3A_90], %parallel_loop3A_99 : memref<64x257xf32, #tpu.memory_space<vmem>>[vector<16xi32>, vector<16xi32>], vector<16xf32>,
        %parallel_loop3A_100 = arith.index_cast %parallel_loop3A_86 : i32 to index
        %parallel_loop3A_101 = arith.constant 48 : index
        %parallel_loop3A_102 = tpu.vector_load %arg8[%parallel_loop3A_100, %parallel_loop3A_101] {strides = array<i32>} : memref<256x64xf32, #tpu.memory_space<vmem>>, vector<16xf32>,
        tpu.vector_store_idx %arg9[%add3A_17, %parallel_loop3A_90], %parallel_loop3A_102 : memref<64x257xf32, #tpu.memory_space<vmem>>[vector<16xi32>, vector<16xi32>], vector<16xf32>,
      } {sc.loop_unroll_factor = 2 : i64, sc.parallel_access}
      %mul3A_75 = arith.constant 64 : i32
      %mul3A_76 = arith.muli %scan3A_41, %mul3A_75 : i32
      %add3A_77 = arith.constant 256 : i32
      %add3A_78 = arith.addi %mul3A_2, %add3A_77 : i32
      "tpu.region"() ({
        %run_scoped3A_86 = tpu.sem_alloc : memref<!tpu.dma_semaphore, #tpu.memory_space<semaphore_mem>>
        %dma_start3A_87 = arith.constant 0 : i32
        %dma_start3A_88 = arith.constant 0 : i32
        %dma_start3A_89 = tpu.memref_slice %arg9[%dma_start3A_87, %dma_start3A_88] : memref<64x257xf32, #tpu.memory_space<vmem>> -> memref<64x256xf32, #tpu.memory_space<vmem>>
        %dma_start3A_90 = tpu.memref_slice %arg4[%mul3A_76, %add3A_78] : memref<1280x16384xf32, #tpu.memory_space<hbm>> -> memref<64x256xf32, #tpu.memory_space<hbm>>
        %dma_start3A_91 = tpu.memref_slice %arg4[%mul3A_76, %add3A_78] : memref<1280x16384xf32, #tpu.memory_space<hbm>> -> memref<64x256xf32, #tpu.memory_space<hbm>>
        %dma_start3A_92 = arith.constant 0 : i32
        %dma_start3A_93 = arith.constant 0 : i32
        %dma_start3A_94 = tpu.memref_slice %arg9[%dma_start3A_92, %dma_start3A_93] : memref<64x257xf32, #tpu.memory_space<vmem>> -> memref<64x256xf32, #tpu.memory_space<vmem>>
        tpu.enqueue_dma source(%dma_start3A_94 : memref<64x256xf32, #tpu.memory_space<vmem>>) target(%dma_start3A_91 : memref<64x256xf32, #tpu.memory_space<hbm>>) target_semaphore(%run_scoped3A_86 : memref<!tpu.dma_semaphore, #tpu.memory_space<semaphore_mem>>)
        %dma_wait3A_95 = arith.constant 0 : i32
        %dma_wait3A_96 = arith.constant 0 : i32
        %dma_wait3A_97 = tpu.memref_slice %arg9[%dma_wait3A_95, %dma_wait3A_96] : memref<64x257xf32, #tpu.memory_space<vmem>> -> memref<64x256xf32, #tpu.memory_space<vmem>>
        %dma_wait3A_98 = tpu.memref_slice %arg4[%mul3A_76, %add3A_78] : memref<1280x16384xf32, #tpu.memory_space<hbm>> -> memref<64x256xf32, #tpu.memory_space<hbm>>
        %dma_wait3A_99 = tpu.memref_slice %arg4[%mul3A_76, %add3A_78] : memref<1280x16384xf32, #tpu.memory_space<hbm>> -> memref<64x256xf32, #tpu.memory_space<hbm>>
        %dma_wait3A_100 = arith.constant 0 : i32
        %dma_wait3A_101 = arith.constant 0 : i32
        %dma_wait3A_102 = tpu.memref_slice %arg9[%dma_wait3A_100, %dma_wait3A_101] : memref<64x257xf32, #tpu.memory_space<vmem>> -> memref<64x256xf32, #tpu.memory_space<vmem>>
        tpu.wait_dma2 semaphore(%run_scoped3A_86 : memref<!tpu.dma_semaphore, #tpu.memory_space<semaphore_mem>>) src(%dma_wait3A_102 : memref<64x256xf32, #tpu.memory_space<vmem>>) dst(%dma_wait3A_99 : memref<64x256xf32, #tpu.memory_space<hbm>>)
        tpu.yield
      }) : () -> ()
      %add3A_79 = arith.constant 1 : i32
      %add3A_80 = arith.addi %scan3A_41, %add3A_79 : i32
      %lt3A_81 = arith.constant 20 : i32
      %lt3A_82 = arith.cmpi slt, %add3A_80, %lt3A_81 : i32
      %convert_element_type3A_83 = arith.extui %lt3A_82 : i1 to i32
      %cond3A_84 = arith.constant 0 : i32
      %cond3A_85 = arith.cmpi ne, %convert_element_type3A_83, %cond3A_84 : i32
      scf.if %cond3A_85 {
        %add3A_86 = arith.constant 1 : i32
        %add3A_87 = arith.addi %scan3A_41, %add3A_86 : i32
        %scan3A_88 = arith.constant 0 : i32
        %scan3A_89 = arith.constant 0 : i32
        %scan3A_90 = arith.constant 16 : i32
        %scan3A_91 = arith.addi %scan3A_89, %scan3A_90 : i32
        %scan3A_92 = arith.constant 4 : i32
        scf.for %scan3A_94 = %scan3A_89 to %scan3A_91 step %scan3A_92  : i32 {
          %mul3A_95 = arith.constant 16 : i32
          %mul3A_96 = arith.muli %scan3A_94, %mul3A_95 : i32
          %add3A_97 = arith.constant 256 : i32
          %add3A_98 = arith.addi %add3A_97, %mul3A_96 : i32
          %get3A = arith.index_cast %add3A_98 : i32 to index
          %get3A_99 = tpu.vector_load %arg5[%get3A] {strides = array<i32>} : memref<512xi32, #tpu.memory_space<vmem>>, vector<16xi32>,
          %shift_right_arithmetic3A = arith.constant 10 : i32
          %shift_right_arithmetic3A_100 = vector.broadcast %shift_right_arithmetic3A : i32 to vector<16xi32>
          %shift_right_arithmetic3A_101 = arith.shrsi %get3A_99, %shift_right_arithmetic3A_100 : vector<16xi32>
          %shift_left3A = arith.constant 10 : i32
          %shift_left3A_102 = vector.broadcast %shift_left3A : i32 to vector<16xi32>
          %shift_left3A_103 = arith.shli %shift_right_arithmetic3A_101, %shift_left3A_102 : vector<16xi32>
          %and3A = arith.constant 511 : i32
          %and3A_104 = vector.broadcast %and3A : i32 to vector<16xi32>
          %and3A_105 = arith.andi %get3A_99, %and3A_104 : vector<16xi32>
          %shift_left3A_106 = arith.constant 1 : i32
          %shift_left3A_107 = vector.broadcast %shift_left3A_106 : i32 to vector<16xi32>
          %shift_left3A_108 = arith.shli %and3A_105, %shift_left3A_107 : vector<16xi32>
          %add3A_109 = arith.addi %shift_left3A_103, %shift_left3A_108 : vector<16xi32>
          %shift_right_arithmetic3A_110 = arith.constant 9 : i32
          %shift_right_arithmetic3A_111 = vector.broadcast %shift_right_arithmetic3A_110 : i32 to vector<16xi32>
          %shift_right_arithmetic3A_112 = arith.shrsi %get3A_99, %shift_right_arithmetic3A_111 : vector<16xi32>
          %and3A_113 = arith.constant 1 : i32
          %and3A_114 = vector.broadcast %and3A_113 : i32 to vector<16xi32>
          %and3A_115 = arith.andi %shift_right_arithmetic3A_112, %and3A_114 : vector<16xi32>
          %add3A_116 = arith.addi %add3A_109, %and3A_115 : vector<16xi32>
          %mul3A_117 = arith.constant 16 : i32
          %mul3A_118 = arith.muli %scan3A_94, %mul3A_117 : i32
          %swap3A = arith.constant 1 : i32
          %swap3A_119 = arith.index_cast %swap3A : i32 to index
          %swap3A_120 = arith.index_cast %mul3A_118 : i32 to index
          %swap3A_121 = tpu.vector_load %arg6[%swap3A_119, %swap3A_120] {strides = array<i32>} : memref<2x256xi32, #tpu.memory_space<vmem>>, vector<16xi32>,
          tpu.vector_store %arg6[%swap3A_119, %swap3A_120], %add3A_116 {strides = array<i32>} : memref<2x256xi32, #tpu.memory_space<vmem>>, vector<16xi32>,
          %scan3A_122 = arith.constant 1 : i32
          %scan3A_123 = arith.addi %scan3A_94, %scan3A_122 : i32
          %mul3A_124 = arith.constant 16 : i32
          %mul3A_125 = arith.muli %scan3A_123, %mul3A_124 : i32
          %add3A_126 = arith.constant 256 : i32
          %add3A_127 = arith.addi %add3A_126, %mul3A_125 : i32
          %get3A_128 = arith.index_cast %add3A_127 : i32 to index
          %get3A_129 = tpu.vector_load %arg5[%get3A_128] {strides = array<i32>} : memref<512xi32, #tpu.memory_space<vmem>>, vector<16xi32>,
          %shift_right_arithmetic3A_130 = arith.constant 10 : i32
          %shift_right_arithmetic3A_131 = vector.broadcast %shift_right_arithmetic3A_130 : i32 to vector<16xi32>
          %shift_right_arithmetic3A_132 = arith.shrsi %get3A_129, %shift_right_arithmetic3A_131 : vector<16xi32>
          %shift_left3A_133 = arith.constant 10 : i32
          %shift_left3A_134 = vector.broadcast %shift_left3A_133 : i32 to vector<16xi32>
          %shift_left3A_135 = arith.shli %shift_right_arithmetic3A_132, %shift_left3A_134 : vector<16xi32>
          %and3A_136 = arith.constant 511 : i32
          %and3A_137 = vector.broadcast %and3A_136 : i32 to vector<16xi32>
          %and3A_138 = arith.andi %get3A_129, %and3A_137 : vector<16xi32>
          %shift_left3A_139 = arith.constant 1 : i32
          %shift_left3A_140 = vector.broadcast %shift_left3A_139 : i32 to vector<16xi32>
          %shift_left3A_141 = arith.shli %and3A_138, %shift_left3A_140 : vector<16xi32>
          %add3A_142 = arith.addi %shift_left3A_135, %shift_left3A_141 : vector<16xi32>
          %shift_right_arithmetic3A_143 = arith.constant 9 : i32
          %shift_right_arithmetic3A_144 = vector.broadcast %shift_right_arithmetic3A_143 : i32 to vector<16xi32>
          %shift_right_arithmetic3A_145 = arith.shrsi %get3A_129, %shift_right_arithmetic3A_144 : vector<16xi32>
          %and3A_146 = arith.constant 1 : i32
          %and3A_147 = vector.broadcast %and3A_146 : i32 to vector<16xi32>
          %and3A_148 = arith.andi %shift_right_arithmetic3A_145, %and3A_147 : vector<16xi32>
          %add3A_149 = arith.addi %add3A_142, %and3A_148 : vector<16xi32>
          %mul3A_150 = arith.constant 16 : i32
          %mul3A_151 = arith.muli %scan3A_123, %mul3A_150 : i32
          %swap3A_152 = arith.constant 1 : i32
          %swap3A_153 = arith.index_cast %swap3A_152 : i32 to index
          %swap3A_154 = arith.index_cast %mul3A_151 : i32 to index
          %swap3A_155 = tpu.vector_load %arg6[%swap3A_153, %swap3A_154] {strides = array<i32>} : memref<2x256xi32, #tpu.memory_space<vmem>>, vector<16xi32>,
          tpu.vector_store %arg6[%swap3A_153, %swap3A_154], %add3A_149 {strides = array<i32>} : memref<2x256xi32, #tpu.memory_space<vmem>>, vector<16xi32>,
          %scan3A_156 = arith.constant 2 : i32
          %scan3A_157 = arith.addi %scan3A_94, %scan3A_156 : i32
          %mul3A_158 = arith.constant 16 : i32
          %mul3A_159 = arith.muli %scan3A_157, %mul3A_158 : i32
          %add3A_160 = arith.constant 256 : i32
          %add3A_161 = arith.addi %add3A_160, %mul3A_159 : i32
          %get3A_162 = arith.index_cast %add3A_161 : i32 to index
          %get3A_163 = tpu.vector_load %arg5[%get3A_162] {strides = array<i32>} : memref<512xi32, #tpu.memory_space<vmem>>, vector<16xi32>,
          %shift_right_arithmetic3A_164 = arith.constant 10 : i32
          %shift_right_arithmetic3A_165 = vector.broadcast %shift_right_arithmetic3A_164 : i32 to vector<16xi32>
          %shift_right_arithmetic3A_166 = arith.shrsi %get3A_163, %shift_right_arithmetic3A_165 : vector<16xi32>
          %shift_left3A_167 = arith.constant 10 : i32
          %shift_left3A_168 = vector.broadcast %shift_left3A_167 : i32 to vector<16xi32>
          %shift_left3A_169 = arith.shli %shift_right_arithmetic3A_166, %shift_left3A_168 : vector<16xi32>
          %and3A_170 = arith.constant 511 : i32
          %and3A_171 = vector.broadcast %and3A_170 : i32 to vector<16xi32>
          %and3A_172 = arith.andi %get3A_163, %and3A_171 : vector<16xi32>
          %shift_left3A_173 = arith.constant 1 : i32
          %shift_left3A_174 = vector.broadcast %shift_left3A_173 : i32 to vector<16xi32>
          %shift_left3A_175 = arith.shli %and3A_172, %shift_left3A_174 : vector<16xi32>
          %add3A_176 = arith.addi %shift_left3A_169, %shift_left3A_175 : vector<16xi32>
          %shift_right_arithmetic3A_177 = arith.constant 9 : i32
          %shift_right_arithmetic3A_178 = vector.broadcast %shift_right_arithmetic3A_177 : i32 to vector<16xi32>
          %shift_right_arithmetic3A_179 = arith.shrsi %get3A_163, %shift_right_arithmetic3A_178 : vector<16xi32>
          %and3A_180 = arith.constant 1 : i32
          %and3A_181 = vector.broadcast %and3A_180 : i32 to vector<16xi32>
          %and3A_182 = arith.andi %shift_right_arithmetic3A_179, %and3A_181 : vector<16xi32>
          %add3A_183 = arith.addi %add3A_176, %and3A_182 : vector<16xi32>
          %mul3A_184 = arith.constant 16 : i32
          %mul3A_185 = arith.muli %scan3A_157, %mul3A_184 : i32
          %swap3A_186 = arith.constant 1 : i32
          %swap3A_187 = arith.index_cast %swap3A_186 : i32 to index
          %swap3A_188 = arith.index_cast %mul3A_185 : i32 to index
          %swap3A_189 = tpu.vector_load %arg6[%swap3A_187, %swap3A_188] {strides = array<i32>} : memref<2x256xi32, #tpu.memory_space<vmem>>, vector<16xi32>,
          tpu.vector_store %arg6[%swap3A_187, %swap3A_188], %add3A_183 {strides = array<i32>} : memref<2x256xi32, #tpu.memory_space<vmem>>, vector<16xi32>,
          %scan3A_190 = arith.constant 3 : i32
          %scan3A_191 = arith.addi %scan3A_94, %scan3A_190 : i32
          %mul3A_192 = arith.constant 16 : i32
          %mul3A_193 = arith.muli %scan3A_191, %mul3A_192 : i32
          %add3A_194 = arith.constant 256 : i32
          %add3A_195 = arith.addi %add3A_194, %mul3A_193 : i32
          %get3A_196 = arith.index_cast %add3A_195 : i32 to index
          %get3A_197 = tpu.vector_load %arg5[%get3A_196] {strides = array<i32>} : memref<512xi32, #tpu.memory_space<vmem>>, vector<16xi32>,
          %shift_right_arithmetic3A_198 = arith.constant 10 : i32
          %shift_right_arithmetic3A_199 = vector.broadcast %shift_right_arithmetic3A_198 : i32 to vector<16xi32>
          %shift_right_arithmetic3A_200 = arith.shrsi %get3A_197, %shift_right_arithmetic3A_199 : vector<16xi32>
          %shift_left3A_201 = arith.constant 10 : i32
          %shift_left3A_202 = vector.broadcast %shift_left3A_201 : i32 to vector<16xi32>
          %shift_left3A_203 = arith.shli %shift_right_arithmetic3A_200, %shift_left3A_202 : vector<16xi32>
          %and3A_204 = arith.constant 511 : i32
          %and3A_205 = vector.broadcast %and3A_204 : i32 to vector<16xi32>
          %and3A_206 = arith.andi %get3A_197, %and3A_205 : vector<16xi32>
          %shift_left3A_207 = arith.constant 1 : i32
          %shift_left3A_208 = vector.broadcast %shift_left3A_207 : i32 to vector<16xi32>
          %shift_left3A_209 = arith.shli %and3A_206, %shift_left3A_208 : vector<16xi32>
          %add3A_210 = arith.addi %shift_left3A_203, %shift_left3A_209 : vector<16xi32>
          %shift_right_arithmetic3A_211 = arith.constant 9 : i32
          %shift_right_arithmetic3A_212 = vector.broadcast %shift_right_arithmetic3A_211 : i32 to vector<16xi32>
          %shift_right_arithmetic3A_213 = arith.shrsi %get3A_197, %shift_right_arithmetic3A_212 : vector<16xi32>
          %and3A_214 = arith.constant 1 : i32
          %and3A_215 = vector.broadcast %and3A_214 : i32 to vector<16xi32>
          %and3A_216 = arith.andi %shift_right_arithmetic3A_213, %and3A_215 : vector<16xi32>
          %add3A_217 = arith.addi %add3A_210, %and3A_216 : vector<16xi32>
          %mul3A_218 = arith.constant 16 : i32
          %mul3A_219 = arith.muli %scan3A_191, %mul3A_218 : i32
          %swap3A_220 = arith.constant 1 : i32
          %swap3A_221 = arith.index_cast %swap3A_220 : i32 to index
          %swap3A_222 = arith.index_cast %mul3A_219 : i32 to index
          %swap3A_223 = tpu.vector_load %arg6[%swap3A_221, %swap3A_222] {strides = array<i32>} : memref<2x256xi32, #tpu.memory_space<vmem>>, vector<16xi32>,
          tpu.vector_store %arg6[%swap3A_221, %swap3A_222], %add3A_217 {strides = array<i32>} : memref<2x256xi32, #tpu.memory_space<vmem>>, vector<16xi32>,
        }
        %scan3A_93 = arith.constant 16 : i32
      } else {
      }
    }
    %scan3A_40 = arith.constant 20 : i32
    return
  }
}

module attributes {stable_mosaic.version = 14 : i64} {
  func.func @body(%arg0: i32, %arg1: memref<64x32768xf32, #tpu.memory_space<vmem>>, %arg2: memref<16384x128xf32, #tpu.memory_space<vmem>>) attributes {dimension_semantics = [#tpu.dimension_semantics<arbitrary>], iteration_bounds = array<i64: 31>, scalar_prefetch = 0 : i64, scratch_operands = 0 : i64, tpu.core_type = #tpu.core_type<tc>, window_params = [{transform_indices = @transform_0, window_bounds = array<i64: 64, 32768>}, {transform_indices = @transform_1, window_bounds = array<i64: 16384, 128>}]} {
    %get3A = arith.constant 0 : index
    %get3A_0 = arith.constant 0 : index
    %get3A_1 = vector.load %arg1[%get3A, %get3A_0] : memref<64x32768xf32, #tpu.memory_space<vmem>>, vector<64x512xf32>
    %get3A_2 = arith.constant 0 : index
    %get3A_3 = arith.constant 512 : index
    %get3A_4 = vector.load %arg1[%get3A_2, %get3A_3] : memref<64x32768xf32, #tpu.memory_space<vmem>>, vector<64x512xf32>
    %concatenate3A = tpu.concatenate %get3A_1, %get3A_4 in 0 : vector<64x512xf32>, vector<64x512xf32> -> vector<128x512xf32>
    %transpose3A = tpu.transpose %concatenate3A, [1, 0] : vector<128x512xf32> -> vector<512x128xf32>
    %swap3A = arith.constant 0 : index
    %swap3A_5 = arith.constant 0 : index
    %swap3A_6 = vector.load %arg2[%swap3A, %swap3A_5] : memref<16384x128xf32, #tpu.memory_space<vmem>>, vector<512x128xf32>
    tpu.vector_store %arg2[%swap3A, %swap3A_5], %transpose3A {strides = array<i32>} : memref<16384x128xf32, #tpu.memory_space<vmem>>, vector<512x128xf32>,
    %get3A_7 = arith.constant 0 : index
    %get3A_8 = arith.constant 1024 : index
    %get3A_9 = vector.load %arg1[%get3A_7, %get3A_8] : memref<64x32768xf32, #tpu.memory_space<vmem>>, vector<64x512xf32>
    %get3A_10 = arith.constant 0 : index
    %get3A_11 = arith.constant 1536 : index
    %get3A_12 = vector.load %arg1[%get3A_10, %get3A_11] : memref<64x32768xf32, #tpu.memory_space<vmem>>, vector<64x512xf32>
    %concatenate3A_13 = tpu.concatenate %get3A_9, %get3A_12 in 0 : vector<64x512xf32>, vector<64x512xf32> -> vector<128x512xf32>
    %transpose3A_14 = tpu.transpose %concatenate3A_13, [1, 0] : vector<128x512xf32> -> vector<512x128xf32>
    %swap3A_15 = arith.constant 512 : index
    %swap3A_16 = arith.constant 0 : index
    %swap3A_17 = vector.load %arg2[%swap3A_15, %swap3A_16] : memref<16384x128xf32, #tpu.memory_space<vmem>>, vector<512x128xf32>
    tpu.vector_store %arg2[%swap3A_15, %swap3A_16], %transpose3A_14 {strides = array<i32>} : memref<16384x128xf32, #tpu.memory_space<vmem>>, vector<512x128xf32>,
    %get3A_18 = arith.constant 0 : index
    %get3A_19 = arith.constant 2048 : index
    %get3A_20 = vector.load %arg1[%get3A_18, %get3A_19] : memref<64x32768xf32, #tpu.memory_space<vmem>>, vector<64x512xf32>
    %get3A_21 = arith.constant 0 : index
    %get3A_22 = arith.constant 2560 : index
    %get3A_23 = vector.load %arg1[%get3A_21, %get3A_22] : memref<64x32768xf32, #tpu.memory_space<vmem>>, vector<64x512xf32>
    %concatenate3A_24 = tpu.concatenate %get3A_20, %get3A_23 in 0 : vector<64x512xf32>, vector<64x512xf32> -> vector<128x512xf32>
    %transpose3A_25 = tpu.transpose %concatenate3A_24, [1, 0] : vector<128x512xf32> -> vector<512x128xf32>
    %swap3A_26 = arith.constant 1024 : index
    %swap3A_27 = arith.constant 0 : index
    %swap3A_28 = vector.load %arg2[%swap3A_26, %swap3A_27] : memref<16384x128xf32, #tpu.memory_space<vmem>>, vector<512x128xf32>
    tpu.vector_store %arg2[%swap3A_26, %swap3A_27], %transpose3A_25 {strides = array<i32>} : memref<16384x128xf32, #tpu.memory_space<vmem>>, vector<512x128xf32>,
    %get3A_29 = arith.constant 0 : index
    %get3A_30 = arith.constant 3072 : index
    %get3A_31 = vector.load %arg1[%get3A_29, %get3A_30] : memref<64x32768xf32, #tpu.memory_space<vmem>>, vector<64x512xf32>
    %get3A_32 = arith.constant 0 : index
    %get3A_33 = arith.constant 3584 : index
    %get3A_34 = vector.load %arg1[%get3A_32, %get3A_33] : memref<64x32768xf32, #tpu.memory_space<vmem>>, vector<64x512xf32>
    %concatenate3A_35 = tpu.concatenate %get3A_31, %get3A_34 in 0 : vector<64x512xf32>, vector<64x512xf32> -> vector<128x512xf32>
    %transpose3A_36 = tpu.transpose %concatenate3A_35, [1, 0] : vector<128x512xf32> -> vector<512x128xf32>
    %swap3A_37 = arith.constant 1536 : index
    %swap3A_38 = arith.constant 0 : index
    %swap3A_39 = vector.load %arg2[%swap3A_37, %swap3A_38] : memref<16384x128xf32, #tpu.memory_space<vmem>>, vector<512x128xf32>
    tpu.vector_store %arg2[%swap3A_37, %swap3A_38], %transpose3A_36 {strides = array<i32>} : memref<16384x128xf32, #tpu.memory_space<vmem>>, vector<512x128xf32>,
    %get3A_40 = arith.constant 0 : index
    %get3A_41 = arith.constant 4096 : index
    %get3A_42 = vector.load %arg1[%get3A_40, %get3A_41] : memref<64x32768xf32, #tpu.memory_space<vmem>>, vector<64x512xf32>
    %get3A_43 = arith.constant 0 : index
    %get3A_44 = arith.constant 4608 : index
    %get3A_45 = vector.load %arg1[%get3A_43, %get3A_44] : memref<64x32768xf32, #tpu.memory_space<vmem>>, vector<64x512xf32>
    %concatenate3A_46 = tpu.concatenate %get3A_42, %get3A_45 in 0 : vector<64x512xf32>, vector<64x512xf32> -> vector<128x512xf32>
    %transpose3A_47 = tpu.transpose %concatenate3A_46, [1, 0] : vector<128x512xf32> -> vector<512x128xf32>
    %swap3A_48 = arith.constant 2048 : index
    %swap3A_49 = arith.constant 0 : index
    %swap3A_50 = vector.load %arg2[%swap3A_48, %swap3A_49] : memref<16384x128xf32, #tpu.memory_space<vmem>>, vector<512x128xf32>
    tpu.vector_store %arg2[%swap3A_48, %swap3A_49], %transpose3A_47 {strides = array<i32>} : memref<16384x128xf32, #tpu.memory_space<vmem>>, vector<512x128xf32>,
    %get3A_51 = arith.constant 0 : index
    %get3A_52 = arith.constant 5120 : index
    %get3A_53 = vector.load %arg1[%get3A_51, %get3A_52] : memref<64x32768xf32, #tpu.memory_space<vmem>>, vector<64x512xf32>
    %get3A_54 = arith.constant 0 : index
    %get3A_55 = arith.constant 5632 : index
    %get3A_56 = vector.load %arg1[%get3A_54, %get3A_55] : memref<64x32768xf32, #tpu.memory_space<vmem>>, vector<64x512xf32>
    %concatenate3A_57 = tpu.concatenate %get3A_53, %get3A_56 in 0 : vector<64x512xf32>, vector<64x512xf32> -> vector<128x512xf32>
    %transpose3A_58 = tpu.transpose %concatenate3A_57, [1, 0] : vector<128x512xf32> -> vector<512x128xf32>
    %swap3A_59 = arith.constant 2560 : index
    %swap3A_60 = arith.constant 0 : index
    %swap3A_61 = vector.load %arg2[%swap3A_59, %swap3A_60] : memref<16384x128xf32, #tpu.memory_space<vmem>>, vector<512x128xf32>
    tpu.vector_store %arg2[%swap3A_59, %swap3A_60], %transpose3A_58 {strides = array<i32>} : memref<16384x128xf32, #tpu.memory_space<vmem>>, vector<512x128xf32>,
    %get3A_62 = arith.constant 0 : index
    %get3A_63 = arith.constant 6144 : index
    %get3A_64 = vector.load %arg1[%get3A_62, %get3A_63] : memref<64x32768xf32, #tpu.memory_space<vmem>>, vector<64x512xf32>
    %get3A_65 = arith.constant 0 : index
    %get3A_66 = arith.constant 6656 : index
    %get3A_67 = vector.load %arg1[%get3A_65, %get3A_66] : memref<64x32768xf32, #tpu.memory_space<vmem>>, vector<64x512xf32>
    %concatenate3A_68 = tpu.concatenate %get3A_64, %get3A_67 in 0 : vector<64x512xf32>, vector<64x512xf32> -> vector<128x512xf32>
    %transpose3A_69 = tpu.transpose %concatenate3A_68, [1, 0] : vector<128x512xf32> -> vector<512x128xf32>
    %swap3A_70 = arith.constant 3072 : index
    %swap3A_71 = arith.constant 0 : index
    %swap3A_72 = vector.load %arg2[%swap3A_70, %swap3A_71] : memref<16384x128xf32, #tpu.memory_space<vmem>>, vector<512x128xf32>
    tpu.vector_store %arg2[%swap3A_70, %swap3A_71], %transpose3A_69 {strides = array<i32>} : memref<16384x128xf32, #tpu.memory_space<vmem>>, vector<512x128xf32>,
    %get3A_73 = arith.constant 0 : index
    %get3A_74 = arith.constant 7168 : index
    %get3A_75 = vector.load %arg1[%get3A_73, %get3A_74] : memref<64x32768xf32, #tpu.memory_space<vmem>>, vector<64x512xf32>
    %get3A_76 = arith.constant 0 : index
    %get3A_77 = arith.constant 7680 : index
    %get3A_78 = vector.load %arg1[%get3A_76, %get3A_77] : memref<64x32768xf32, #tpu.memory_space<vmem>>, vector<64x512xf32>
    %concatenate3A_79 = tpu.concatenate %get3A_75, %get3A_78 in 0 : vector<64x512xf32>, vector<64x512xf32> -> vector<128x512xf32>
    %transpose3A_80 = tpu.transpose %concatenate3A_79, [1, 0] : vector<128x512xf32> -> vector<512x128xf32>
    %swap3A_81 = arith.constant 3584 : index
    %swap3A_82 = arith.constant 0 : index
    %swap3A_83 = vector.load %arg2[%swap3A_81, %swap3A_82] : memref<16384x128xf32, #tpu.memory_space<vmem>>, vector<512x128xf32>
    tpu.vector_store %arg2[%swap3A_81, %swap3A_82], %transpose3A_80 {strides = array<i32>} : memref<16384x128xf32, #tpu.memory_space<vmem>>, vector<512x128xf32>,
    %get3A_84 = arith.constant 0 : index
    %get3A_85 = arith.constant 8192 : index
    %get3A_86 = vector.load %arg1[%get3A_84, %get3A_85] : memref<64x32768xf32, #tpu.memory_space<vmem>>, vector<64x512xf32>
    %get3A_87 = arith.constant 0 : index
    %get3A_88 = arith.constant 8704 : index
    %get3A_89 = vector.load %arg1[%get3A_87, %get3A_88] : memref<64x32768xf32, #tpu.memory_space<vmem>>, vector<64x512xf32>
    %concatenate3A_90 = tpu.concatenate %get3A_86, %get3A_89 in 0 : vector<64x512xf32>, vector<64x512xf32> -> vector<128x512xf32>
    %transpose3A_91 = tpu.transpose %concatenate3A_90, [1, 0] : vector<128x512xf32> -> vector<512x128xf32>
    %swap3A_92 = arith.constant 4096 : index
    %swap3A_93 = arith.constant 0 : index
    %swap3A_94 = vector.load %arg2[%swap3A_92, %swap3A_93] : memref<16384x128xf32, #tpu.memory_space<vmem>>, vector<512x128xf32>
    tpu.vector_store %arg2[%swap3A_92, %swap3A_93], %transpose3A_91 {strides = array<i32>} : memref<16384x128xf32, #tpu.memory_space<vmem>>, vector<512x128xf32>,
    %get3A_95 = arith.constant 0 : index
    %get3A_96 = arith.constant 9216 : index
    %get3A_97 = vector.load %arg1[%get3A_95, %get3A_96] : memref<64x32768xf32, #tpu.memory_space<vmem>>, vector<64x512xf32>
    %get3A_98 = arith.constant 0 : index
    %get3A_99 = arith.constant 9728 : index
    %get3A_100 = vector.load %arg1[%get3A_98, %get3A_99] : memref<64x32768xf32, #tpu.memory_space<vmem>>, vector<64x512xf32>
    %concatenate3A_101 = tpu.concatenate %get3A_97, %get3A_100 in 0 : vector<64x512xf32>, vector<64x512xf32> -> vector<128x512xf32>
    %transpose3A_102 = tpu.transpose %concatenate3A_101, [1, 0] : vector<128x512xf32> -> vector<512x128xf32>
    %swap3A_103 = arith.constant 4608 : index
    %swap3A_104 = arith.constant 0 : index
    %swap3A_105 = vector.load %arg2[%swap3A_103, %swap3A_104] : memref<16384x128xf32, #tpu.memory_space<vmem>>, vector<512x128xf32>
    tpu.vector_store %arg2[%swap3A_103, %swap3A_104], %transpose3A_102 {strides = array<i32>} : memref<16384x128xf32, #tpu.memory_space<vmem>>, vector<512x128xf32>,
    %get3A_106 = arith.constant 0 : index
    %get3A_107 = arith.constant 10240 : index
    %get3A_108 = vector.load %arg1[%get3A_106, %get3A_107] : memref<64x32768xf32, #tpu.memory_space<vmem>>, vector<64x512xf32>
    %get3A_109 = arith.constant 0 : index
    %get3A_110 = arith.constant 10752 : index
    %get3A_111 = vector.load %arg1[%get3A_109, %get3A_110] : memref<64x32768xf32, #tpu.memory_space<vmem>>, vector<64x512xf32>
    %concatenate3A_112 = tpu.concatenate %get3A_108, %get3A_111 in 0 : vector<64x512xf32>, vector<64x512xf32> -> vector<128x512xf32>
    %transpose3A_113 = tpu.transpose %concatenate3A_112, [1, 0] : vector<128x512xf32> -> vector<512x128xf32>
    %swap3A_114 = arith.constant 5120 : index
    %swap3A_115 = arith.constant 0 : index
    %swap3A_116 = vector.load %arg2[%swap3A_114, %swap3A_115] : memref<16384x128xf32, #tpu.memory_space<vmem>>, vector<512x128xf32>
    tpu.vector_store %arg2[%swap3A_114, %swap3A_115], %transpose3A_113 {strides = array<i32>} : memref<16384x128xf32, #tpu.memory_space<vmem>>, vector<512x128xf32>,
    %get3A_117 = arith.constant 0 : index
    %get3A_118 = arith.constant 11264 : index
    %get3A_119 = vector.load %arg1[%get3A_117, %get3A_118] : memref<64x32768xf32, #tpu.memory_space<vmem>>, vector<64x512xf32>
    %get3A_120 = arith.constant 0 : index
    %get3A_121 = arith.constant 11776 : index
    %get3A_122 = vector.load %arg1[%get3A_120, %get3A_121] : memref<64x32768xf32, #tpu.memory_space<vmem>>, vector<64x512xf32>
    %concatenate3A_123 = tpu.concatenate %get3A_119, %get3A_122 in 0 : vector<64x512xf32>, vector<64x512xf32> -> vector<128x512xf32>
    %transpose3A_124 = tpu.transpose %concatenate3A_123, [1, 0] : vector<128x512xf32> -> vector<512x128xf32>
    %swap3A_125 = arith.constant 5632 : index
    %swap3A_126 = arith.constant 0 : index
    %swap3A_127 = vector.load %arg2[%swap3A_125, %swap3A_126] : memref<16384x128xf32, #tpu.memory_space<vmem>>, vector<512x128xf32>
    tpu.vector_store %arg2[%swap3A_125, %swap3A_126], %transpose3A_124 {strides = array<i32>} : memref<16384x128xf32, #tpu.memory_space<vmem>>, vector<512x128xf32>,
    %get3A_128 = arith.constant 0 : index
    %get3A_129 = arith.constant 12288 : index
    %get3A_130 = vector.load %arg1[%get3A_128, %get3A_129] : memref<64x32768xf32, #tpu.memory_space<vmem>>, vector<64x512xf32>
    %get3A_131 = arith.constant 0 : index
    %get3A_132 = arith.constant 12800 : index
    %get3A_133 = vector.load %arg1[%get3A_131, %get3A_132] : memref<64x32768xf32, #tpu.memory_space<vmem>>, vector<64x512xf32>
    %concatenate3A_134 = tpu.concatenate %get3A_130, %get3A_133 in 0 : vector<64x512xf32>, vector<64x512xf32> -> vector<128x512xf32>
    %transpose3A_135 = tpu.transpose %concatenate3A_134, [1, 0] : vector<128x512xf32> -> vector<512x128xf32>
    %swap3A_136 = arith.constant 6144 : index
    %swap3A_137 = arith.constant 0 : index
    %swap3A_138 = vector.load %arg2[%swap3A_136, %swap3A_137] : memref<16384x128xf32, #tpu.memory_space<vmem>>, vector<512x128xf32>
    tpu.vector_store %arg2[%swap3A_136, %swap3A_137], %transpose3A_135 {strides = array<i32>} : memref<16384x128xf32, #tpu.memory_space<vmem>>, vector<512x128xf32>,
    %get3A_139 = arith.constant 0 : index
    %get3A_140 = arith.constant 13312 : index
    %get3A_141 = vector.load %arg1[%get3A_139, %get3A_140] : memref<64x32768xf32, #tpu.memory_space<vmem>>, vector<64x512xf32>
    %get3A_142 = arith.constant 0 : index
    %get3A_143 = arith.constant 13824 : index
    %get3A_144 = vector.load %arg1[%get3A_142, %get3A_143] : memref<64x32768xf32, #tpu.memory_space<vmem>>, vector<64x512xf32>
    %concatenate3A_145 = tpu.concatenate %get3A_141, %get3A_144 in 0 : vector<64x512xf32>, vector<64x512xf32> -> vector<128x512xf32>
    %transpose3A_146 = tpu.transpose %concatenate3A_145, [1, 0] : vector<128x512xf32> -> vector<512x128xf32>
    %swap3A_147 = arith.constant 6656 : index
    %swap3A_148 = arith.constant 0 : index
    %swap3A_149 = vector.load %arg2[%swap3A_147, %swap3A_148] : memref<16384x128xf32, #tpu.memory_space<vmem>>, vector<512x128xf32>
    tpu.vector_store %arg2[%swap3A_147, %swap3A_148], %transpose3A_146 {strides = array<i32>} : memref<16384x128xf32, #tpu.memory_space<vmem>>, vector<512x128xf32>,
    %get3A_150 = arith.constant 0 : index
    %get3A_151 = arith.constant 14336 : index
    %get3A_152 = vector.load %arg1[%get3A_150, %get3A_151] : memref<64x32768xf32, #tpu.memory_space<vmem>>, vector<64x512xf32>
    %get3A_153 = arith.constant 0 : index
    %get3A_154 = arith.constant 14848 : index
    %get3A_155 = vector.load %arg1[%get3A_153, %get3A_154] : memref<64x32768xf32, #tpu.memory_space<vmem>>, vector<64x512xf32>
    %concatenate3A_156 = tpu.concatenate %get3A_152, %get3A_155 in 0 : vector<64x512xf32>, vector<64x512xf32> -> vector<128x512xf32>
    %transpose3A_157 = tpu.transpose %concatenate3A_156, [1, 0] : vector<128x512xf32> -> vector<512x128xf32>
    %swap3A_158 = arith.constant 7168 : index
    %swap3A_159 = arith.constant 0 : index
    %swap3A_160 = vector.load %arg2[%swap3A_158, %swap3A_159] : memref<16384x128xf32, #tpu.memory_space<vmem>>, vector<512x128xf32>
    tpu.vector_store %arg2[%swap3A_158, %swap3A_159], %transpose3A_157 {strides = array<i32>} : memref<16384x128xf32, #tpu.memory_space<vmem>>, vector<512x128xf32>,
    %get3A_161 = arith.constant 0 : index
    %get3A_162 = arith.constant 15360 : index
    %get3A_163 = vector.load %arg1[%get3A_161, %get3A_162] : memref<64x32768xf32, #tpu.memory_space<vmem>>, vector<64x512xf32>
    %get3A_164 = arith.constant 0 : index
    %get3A_165 = arith.constant 15872 : index
    %get3A_166 = vector.load %arg1[%get3A_164, %get3A_165] : memref<64x32768xf32, #tpu.memory_space<vmem>>, vector<64x512xf32>
    %concatenate3A_167 = tpu.concatenate %get3A_163, %get3A_166 in 0 : vector<64x512xf32>, vector<64x512xf32> -> vector<128x512xf32>
    %transpose3A_168 = tpu.transpose %concatenate3A_167, [1, 0] : vector<128x512xf32> -> vector<512x128xf32>
    %swap3A_169 = arith.constant 7680 : index
    %swap3A_170 = arith.constant 0 : index
    %swap3A_171 = vector.load %arg2[%swap3A_169, %swap3A_170] : memref<16384x128xf32, #tpu.memory_space<vmem>>, vector<512x128xf32>
    tpu.vector_store %arg2[%swap3A_169, %swap3A_170], %transpose3A_168 {strides = array<i32>} : memref<16384x128xf32, #tpu.memory_space<vmem>>, vector<512x128xf32>,
    %get3A_172 = arith.constant 0 : index
    %get3A_173 = arith.constant 16384 : index
    %get3A_174 = vector.load %arg1[%get3A_172, %get3A_173] : memref<64x32768xf32, #tpu.memory_space<vmem>>, vector<64x512xf32>
    %get3A_175 = arith.constant 0 : index
    %get3A_176 = arith.constant 16896 : index
    %get3A_177 = vector.load %arg1[%get3A_175, %get3A_176] : memref<64x32768xf32, #tpu.memory_space<vmem>>, vector<64x512xf32>
    %concatenate3A_178 = tpu.concatenate %get3A_174, %get3A_177 in 0 : vector<64x512xf32>, vector<64x512xf32> -> vector<128x512xf32>
    %transpose3A_179 = tpu.transpose %concatenate3A_178, [1, 0] : vector<128x512xf32> -> vector<512x128xf32>
    %swap3A_180 = arith.constant 8192 : index
    %swap3A_181 = arith.constant 0 : index
    %swap3A_182 = vector.load %arg2[%swap3A_180, %swap3A_181] : memref<16384x128xf32, #tpu.memory_space<vmem>>, vector<512x128xf32>
    tpu.vector_store %arg2[%swap3A_180, %swap3A_181], %transpose3A_179 {strides = array<i32>} : memref<16384x128xf32, #tpu.memory_space<vmem>>, vector<512x128xf32>,
    %get3A_183 = arith.constant 0 : index
    %get3A_184 = arith.constant 17408 : index
    %get3A_185 = vector.load %arg1[%get3A_183, %get3A_184] : memref<64x32768xf32, #tpu.memory_space<vmem>>, vector<64x512xf32>
    %get3A_186 = arith.constant 0 : index
    %get3A_187 = arith.constant 17920 : index
    %get3A_188 = vector.load %arg1[%get3A_186, %get3A_187] : memref<64x32768xf32, #tpu.memory_space<vmem>>, vector<64x512xf32>
    %concatenate3A_189 = tpu.concatenate %get3A_185, %get3A_188 in 0 : vector<64x512xf32>, vector<64x512xf32> -> vector<128x512xf32>
    %transpose3A_190 = tpu.transpose %concatenate3A_189, [1, 0] : vector<128x512xf32> -> vector<512x128xf32>
    %swap3A_191 = arith.constant 8704 : index
    %swap3A_192 = arith.constant 0 : index
    %swap3A_193 = vector.load %arg2[%swap3A_191, %swap3A_192] : memref<16384x128xf32, #tpu.memory_space<vmem>>, vector<512x128xf32>
    tpu.vector_store %arg2[%swap3A_191, %swap3A_192], %transpose3A_190 {strides = array<i32>} : memref<16384x128xf32, #tpu.memory_space<vmem>>, vector<512x128xf32>,
    %get3A_194 = arith.constant 0 : index
    %get3A_195 = arith.constant 18432 : index
    %get3A_196 = vector.load %arg1[%get3A_194, %get3A_195] : memref<64x32768xf32, #tpu.memory_space<vmem>>, vector<64x512xf32>
    %get3A_197 = arith.constant 0 : index
    %get3A_198 = arith.constant 18944 : index
    %get3A_199 = vector.load %arg1[%get3A_197, %get3A_198] : memref<64x32768xf32, #tpu.memory_space<vmem>>, vector<64x512xf32>
    %concatenate3A_200 = tpu.concatenate %get3A_196, %get3A_199 in 0 : vector<64x512xf32>, vector<64x512xf32> -> vector<128x512xf32>
    %transpose3A_201 = tpu.transpose %concatenate3A_200, [1, 0] : vector<128x512xf32> -> vector<512x128xf32>
    %swap3A_202 = arith.constant 9216 : index
    %swap3A_203 = arith.constant 0 : index
    %swap3A_204 = vector.load %arg2[%swap3A_202, %swap3A_203] : memref<16384x128xf32, #tpu.memory_space<vmem>>, vector<512x128xf32>
    tpu.vector_store %arg2[%swap3A_202, %swap3A_203], %transpose3A_201 {strides = array<i32>} : memref<16384x128xf32, #tpu.memory_space<vmem>>, vector<512x128xf32>,
    %get3A_205 = arith.constant 0 : index
    %get3A_206 = arith.constant 19456 : index
    %get3A_207 = vector.load %arg1[%get3A_205, %get3A_206] : memref<64x32768xf32, #tpu.memory_space<vmem>>, vector<64x512xf32>
    %get3A_208 = arith.constant 0 : index
    %get3A_209 = arith.constant 19968 : index
    %get3A_210 = vector.load %arg1[%get3A_208, %get3A_209] : memref<64x32768xf32, #tpu.memory_space<vmem>>, vector<64x512xf32>
    %concatenate3A_211 = tpu.concatenate %get3A_207, %get3A_210 in 0 : vector<64x512xf32>, vector<64x512xf32> -> vector<128x512xf32>
    %transpose3A_212 = tpu.transpose %concatenate3A_211, [1, 0] : vector<128x512xf32> -> vector<512x128xf32>
    %swap3A_213 = arith.constant 9728 : index
    %swap3A_214 = arith.constant 0 : index
    %swap3A_215 = vector.load %arg2[%swap3A_213, %swap3A_214] : memref<16384x128xf32, #tpu.memory_space<vmem>>, vector<512x128xf32>
    tpu.vector_store %arg2[%swap3A_213, %swap3A_214], %transpose3A_212 {strides = array<i32>} : memref<16384x128xf32, #tpu.memory_space<vmem>>, vector<512x128xf32>,
    %get3A_216 = arith.constant 0 : index
    %get3A_217 = arith.constant 20480 : index
    %get3A_218 = vector.load %arg1[%get3A_216, %get3A_217] : memref<64x32768xf32, #tpu.memory_space<vmem>>, vector<64x512xf32>
    %get3A_219 = arith.constant 0 : index
    %get3A_220 = arith.constant 20992 : index
    %get3A_221 = vector.load %arg1[%get3A_219, %get3A_220] : memref<64x32768xf32, #tpu.memory_space<vmem>>, vector<64x512xf32>
    %concatenate3A_222 = tpu.concatenate %get3A_218, %get3A_221 in 0 : vector<64x512xf32>, vector<64x512xf32> -> vector<128x512xf32>
    %transpose3A_223 = tpu.transpose %concatenate3A_222, [1, 0] : vector<128x512xf32> -> vector<512x128xf32>
    %swap3A_224 = arith.constant 10240 : index
    %swap3A_225 = arith.constant 0 : index
    %swap3A_226 = vector.load %arg2[%swap3A_224, %swap3A_225] : memref<16384x128xf32, #tpu.memory_space<vmem>>, vector<512x128xf32>
    tpu.vector_store %arg2[%swap3A_224, %swap3A_225], %transpose3A_223 {strides = array<i32>} : memref<16384x128xf32, #tpu.memory_space<vmem>>, vector<512x128xf32>,
    %get3A_227 = arith.constant 0 : index
    %get3A_228 = arith.constant 21504 : index
    %get3A_229 = vector.load %arg1[%get3A_227, %get3A_228] : memref<64x32768xf32, #tpu.memory_space<vmem>>, vector<64x512xf32>
    %get3A_230 = arith.constant 0 : index
    %get3A_231 = arith.constant 22016 : index
    %get3A_232 = vector.load %arg1[%get3A_230, %get3A_231] : memref<64x32768xf32, #tpu.memory_space<vmem>>, vector<64x512xf32>
    %concatenate3A_233 = tpu.concatenate %get3A_229, %get3A_232 in 0 : vector<64x512xf32>, vector<64x512xf32> -> vector<128x512xf32>
    %transpose3A_234 = tpu.transpose %concatenate3A_233, [1, 0] : vector<128x512xf32> -> vector<512x128xf32>
    %swap3A_235 = arith.constant 10752 : index
    %swap3A_236 = arith.constant 0 : index
    %swap3A_237 = vector.load %arg2[%swap3A_235, %swap3A_236] : memref<16384x128xf32, #tpu.memory_space<vmem>>, vector<512x128xf32>
    tpu.vector_store %arg2[%swap3A_235, %swap3A_236], %transpose3A_234 {strides = array<i32>} : memref<16384x128xf32, #tpu.memory_space<vmem>>, vector<512x128xf32>,
    %get3A_238 = arith.constant 0 : index
    %get3A_239 = arith.constant 22528 : index
    %get3A_240 = vector.load %arg1[%get3A_238, %get3A_239] : memref<64x32768xf32, #tpu.memory_space<vmem>>, vector<64x512xf32>
    %get3A_241 = arith.constant 0 : index
    %get3A_242 = arith.constant 23040 : index
    %get3A_243 = vector.load %arg1[%get3A_241, %get3A_242] : memref<64x32768xf32, #tpu.memory_space<vmem>>, vector<64x512xf32>
    %concatenate3A_244 = tpu.concatenate %get3A_240, %get3A_243 in 0 : vector<64x512xf32>, vector<64x512xf32> -> vector<128x512xf32>
    %transpose3A_245 = tpu.transpose %concatenate3A_244, [1, 0] : vector<128x512xf32> -> vector<512x128xf32>
    %swap3A_246 = arith.constant 11264 : index
    %swap3A_247 = arith.constant 0 : index
    %swap3A_248 = vector.load %arg2[%swap3A_246, %swap3A_247] : memref<16384x128xf32, #tpu.memory_space<vmem>>, vector<512x128xf32>
    tpu.vector_store %arg2[%swap3A_246, %swap3A_247], %transpose3A_245 {strides = array<i32>} : memref<16384x128xf32, #tpu.memory_space<vmem>>, vector<512x128xf32>,
    %get3A_249 = arith.constant 0 : index
    %get3A_250 = arith.constant 23552 : index
    %get3A_251 = vector.load %arg1[%get3A_249, %get3A_250] : memref<64x32768xf32, #tpu.memory_space<vmem>>, vector<64x512xf32>
    %get3A_252 = arith.constant 0 : index
    %get3A_253 = arith.constant 24064 : index
    %get3A_254 = vector.load %arg1[%get3A_252, %get3A_253] : memref<64x32768xf32, #tpu.memory_space<vmem>>, vector<64x512xf32>
    %concatenate3A_255 = tpu.concatenate %get3A_251, %get3A_254 in 0 : vector<64x512xf32>, vector<64x512xf32> -> vector<128x512xf32>
    %transpose3A_256 = tpu.transpose %concatenate3A_255, [1, 0] : vector<128x512xf32> -> vector<512x128xf32>
    %swap3A_257 = arith.constant 11776 : index
    %swap3A_258 = arith.constant 0 : index
    %swap3A_259 = vector.load %arg2[%swap3A_257, %swap3A_258] : memref<16384x128xf32, #tpu.memory_space<vmem>>, vector<512x128xf32>
    tpu.vector_store %arg2[%swap3A_257, %swap3A_258], %transpose3A_256 {strides = array<i32>} : memref<16384x128xf32, #tpu.memory_space<vmem>>, vector<512x128xf32>,
    %get3A_260 = arith.constant 0 : index
    %get3A_261 = arith.constant 24576 : index
    %get3A_262 = vector.load %arg1[%get3A_260, %get3A_261] : memref<64x32768xf32, #tpu.memory_space<vmem>>, vector<64x512xf32>
    %get3A_263 = arith.constant 0 : index
    %get3A_264 = arith.constant 25088 : index
    %get3A_265 = vector.load %arg1[%get3A_263, %get3A_264] : memref<64x32768xf32, #tpu.memory_space<vmem>>, vector<64x512xf32>
    %concatenate3A_266 = tpu.concatenate %get3A_262, %get3A_265 in 0 : vector<64x512xf32>, vector<64x512xf32> -> vector<128x512xf32>
    %transpose3A_267 = tpu.transpose %concatenate3A_266, [1, 0] : vector<128x512xf32> -> vector<512x128xf32>
    %swap3A_268 = arith.constant 12288 : index
    %swap3A_269 = arith.constant 0 : index
    %swap3A_270 = vector.load %arg2[%swap3A_268, %swap3A_269] : memref<16384x128xf32, #tpu.memory_space<vmem>>, vector<512x128xf32>
    tpu.vector_store %arg2[%swap3A_268, %swap3A_269], %transpose3A_267 {strides = array<i32>} : memref<16384x128xf32, #tpu.memory_space<vmem>>, vector<512x128xf32>,
    %get3A_271 = arith.constant 0 : index
    %get3A_272 = arith.constant 25600 : index
    %get3A_273 = vector.load %arg1[%get3A_271, %get3A_272] : memref<64x32768xf32, #tpu.memory_space<vmem>>, vector<64x512xf32>
    %get3A_274 = arith.constant 0 : index
    %get3A_275 = arith.constant 26112 : index
    %get3A_276 = vector.load %arg1[%get3A_274, %get3A_275] : memref<64x32768xf32, #tpu.memory_space<vmem>>, vector<64x512xf32>
    %concatenate3A_277 = tpu.concatenate %get3A_273, %get3A_276 in 0 : vector<64x512xf32>, vector<64x512xf32> -> vector<128x512xf32>
    %transpose3A_278 = tpu.transpose %concatenate3A_277, [1, 0] : vector<128x512xf32> -> vector<512x128xf32>
    %swap3A_279 = arith.constant 12800 : index
    %swap3A_280 = arith.constant 0 : index
    %swap3A_281 = vector.load %arg2[%swap3A_279, %swap3A_280] : memref<16384x128xf32, #tpu.memory_space<vmem>>, vector<512x128xf32>
    tpu.vector_store %arg2[%swap3A_279, %swap3A_280], %transpose3A_278 {strides = array<i32>} : memref<16384x128xf32, #tpu.memory_space<vmem>>, vector<512x128xf32>,
    %get3A_282 = arith.constant 0 : index
    %get3A_283 = arith.constant 26624 : index
    %get3A_284 = vector.load %arg1[%get3A_282, %get3A_283] : memref<64x32768xf32, #tpu.memory_space<vmem>>, vector<64x512xf32>
    %get3A_285 = arith.constant 0 : index
    %get3A_286 = arith.constant 27136 : index
    %get3A_287 = vector.load %arg1[%get3A_285, %get3A_286] : memref<64x32768xf32, #tpu.memory_space<vmem>>, vector<64x512xf32>
    %concatenate3A_288 = tpu.concatenate %get3A_284, %get3A_287 in 0 : vector<64x512xf32>, vector<64x512xf32> -> vector<128x512xf32>
    %transpose3A_289 = tpu.transpose %concatenate3A_288, [1, 0] : vector<128x512xf32> -> vector<512x128xf32>
    %swap3A_290 = arith.constant 13312 : index
    %swap3A_291 = arith.constant 0 : index
    %swap3A_292 = vector.load %arg2[%swap3A_290, %swap3A_291] : memref<16384x128xf32, #tpu.memory_space<vmem>>, vector<512x128xf32>
    tpu.vector_store %arg2[%swap3A_290, %swap3A_291], %transpose3A_289 {strides = array<i32>} : memref<16384x128xf32, #tpu.memory_space<vmem>>, vector<512x128xf32>,
    %get3A_293 = arith.constant 0 : index
    %get3A_294 = arith.constant 27648 : index
    %get3A_295 = vector.load %arg1[%get3A_293, %get3A_294] : memref<64x32768xf32, #tpu.memory_space<vmem>>, vector<64x512xf32>
    %get3A_296 = arith.constant 0 : index
    %get3A_297 = arith.constant 28160 : index
    %get3A_298 = vector.load %arg1[%get3A_296, %get3A_297] : memref<64x32768xf32, #tpu.memory_space<vmem>>, vector<64x512xf32>
    %concatenate3A_299 = tpu.concatenate %get3A_295, %get3A_298 in 0 : vector<64x512xf32>, vector<64x512xf32> -> vector<128x512xf32>
    %transpose3A_300 = tpu.transpose %concatenate3A_299, [1, 0] : vector<128x512xf32> -> vector<512x128xf32>
    %swap3A_301 = arith.constant 13824 : index
    %swap3A_302 = arith.constant 0 : index
    %swap3A_303 = vector.load %arg2[%swap3A_301, %swap3A_302] : memref<16384x128xf32, #tpu.memory_space<vmem>>, vector<512x128xf32>
    tpu.vector_store %arg2[%swap3A_301, %swap3A_302], %transpose3A_300 {strides = array<i32>} : memref<16384x128xf32, #tpu.memory_space<vmem>>, vector<512x128xf32>,
    %get3A_304 = arith.constant 0 : index
    %get3A_305 = arith.constant 28672 : index
    %get3A_306 = vector.load %arg1[%get3A_304, %get3A_305] : memref<64x32768xf32, #tpu.memory_space<vmem>>, vector<64x512xf32>
    %get3A_307 = arith.constant 0 : index
    %get3A_308 = arith.constant 29184 : index
    %get3A_309 = vector.load %arg1[%get3A_307, %get3A_308] : memref<64x32768xf32, #tpu.memory_space<vmem>>, vector<64x512xf32>
    %concatenate3A_310 = tpu.concatenate %get3A_306, %get3A_309 in 0 : vector<64x512xf32>, vector<64x512xf32> -> vector<128x512xf32>
    %transpose3A_311 = tpu.transpose %concatenate3A_310, [1, 0] : vector<128x512xf32> -> vector<512x128xf32>
    %swap3A_312 = arith.constant 14336 : index
    %swap3A_313 = arith.constant 0 : index
    %swap3A_314 = vector.load %arg2[%swap3A_312, %swap3A_313] : memref<16384x128xf32, #tpu.memory_space<vmem>>, vector<512x128xf32>
    tpu.vector_store %arg2[%swap3A_312, %swap3A_313], %transpose3A_311 {strides = array<i32>} : memref<16384x128xf32, #tpu.memory_space<vmem>>, vector<512x128xf32>,
    %get3A_315 = arith.constant 0 : index
    %get3A_316 = arith.constant 29696 : index
    %get3A_317 = vector.load %arg1[%get3A_315, %get3A_316] : memref<64x32768xf32, #tpu.memory_space<vmem>>, vector<64x512xf32>
    %get3A_318 = arith.constant 0 : index
    %get3A_319 = arith.constant 30208 : index
    %get3A_320 = vector.load %arg1[%get3A_318, %get3A_319] : memref<64x32768xf32, #tpu.memory_space<vmem>>, vector<64x512xf32>
    %concatenate3A_321 = tpu.concatenate %get3A_317, %get3A_320 in 0 : vector<64x512xf32>, vector<64x512xf32> -> vector<128x512xf32>
    %transpose3A_322 = tpu.transpose %concatenate3A_321, [1, 0] : vector<128x512xf32> -> vector<512x128xf32>
    %swap3A_323 = arith.constant 14848 : index
    %swap3A_324 = arith.constant 0 : index
    %swap3A_325 = vector.load %arg2[%swap3A_323, %swap3A_324] : memref<16384x128xf32, #tpu.memory_space<vmem>>, vector<512x128xf32>
    tpu.vector_store %arg2[%swap3A_323, %swap3A_324], %transpose3A_322 {strides = array<i32>} : memref<16384x128xf32, #tpu.memory_space<vmem>>, vector<512x128xf32>,
    %get3A_326 = arith.constant 0 : index
    %get3A_327 = arith.constant 30720 : index
    %get3A_328 = vector.load %arg1[%get3A_326, %get3A_327] : memref<64x32768xf32, #tpu.memory_space<vmem>>, vector<64x512xf32>
    %get3A_329 = arith.constant 0 : index
    %get3A_330 = arith.constant 31232 : index
    %get3A_331 = vector.load %arg1[%get3A_329, %get3A_330] : memref<64x32768xf32, #tpu.memory_space<vmem>>, vector<64x512xf32>
    %concatenate3A_332 = tpu.concatenate %get3A_328, %get3A_331 in 0 : vector<64x512xf32>, vector<64x512xf32> -> vector<128x512xf32>
    %transpose3A_333 = tpu.transpose %concatenate3A_332, [1, 0] : vector<128x512xf32> -> vector<512x128xf32>
    %swap3A_334 = arith.constant 15360 : index
    %swap3A_335 = arith.constant 0 : index
    %swap3A_336 = vector.load %arg2[%swap3A_334, %swap3A_335] : memref<16384x128xf32, #tpu.memory_space<vmem>>, vector<512x128xf32>
    tpu.vector_store %arg2[%swap3A_334, %swap3A_335], %transpose3A_333 {strides = array<i32>} : memref<16384x128xf32, #tpu.memory_space<vmem>>, vector<512x128xf32>,
    %get3A_337 = arith.constant 0 : index
    %get3A_338 = arith.constant 31744 : index
    %get3A_339 = vector.load %arg1[%get3A_337, %get3A_338] : memref<64x32768xf32, #tpu.memory_space<vmem>>, vector<64x512xf32>
    %get3A_340 = arith.constant 0 : index
    %get3A_341 = arith.constant 32256 : index
    %get3A_342 = vector.load %arg1[%get3A_340, %get3A_341] : memref<64x32768xf32, #tpu.memory_space<vmem>>, vector<64x512xf32>
    %concatenate3A_343 = tpu.concatenate %get3A_339, %get3A_342 in 0 : vector<64x512xf32>, vector<64x512xf32> -> vector<128x512xf32>
    %transpose3A_344 = tpu.transpose %concatenate3A_343, [1, 0] : vector<128x512xf32> -> vector<512x128xf32>
    %swap3A_345 = arith.constant 15872 : index
    %swap3A_346 = arith.constant 0 : index
    %swap3A_347 = vector.load %arg2[%swap3A_345, %swap3A_346] : memref<16384x128xf32, #tpu.memory_space<vmem>>, vector<512x128xf32>
    tpu.vector_store %arg2[%swap3A_345, %swap3A_346], %transpose3A_344 {strides = array<i32>} : memref<16384x128xf32, #tpu.memory_space<vmem>>, vector<512x128xf32>,
    return
  }
  func.func @transform_0(%arg0: i32) -> (i32, i32) {
    %c0_i32 = arith.constant 0 : i32
    %c0_i32_0 = arith.constant 0 : i32
    return %c0_i32, %arg0 : i32, i32
  }
  func.func @transform_1(%arg0: i32) -> (i32, i32) {
    %c0_i32 = arith.constant 0 : i32
    %c0_i32_0 = arith.constant 0 : i32
    return %arg0, %c0_i32 : i32, i32
  }
}

</mosaic_0001>

<sc_bundles>
// kernel: kernel.4.cloned.1.call-start
scs
__scs_entry_jumppad:
0x0: {  	(pc) =	sbr.rel $0x88, $3  }
0x1: {  	(tag) =	ssettag $0x0;
	lr =	simm.s32 $0x1  }
0x2: {  	[smem:$0x3F9F] =	sst lr;
	_ =	strace $0xD0000000  }
0x3: {  	_ = 	snop  }
0x4: {  	_ = 	snop  }
0x5: {  	_ = 	snop  }
0x6: {  	_ = 	snop  }
0x7: {  	_ = 	snop  }
__scs_overlays_trampoline_lowered:
0x8: {  	[smem:$0x3FAE] =	sst s0  }
0x9: {  	[smem:$0x3FAF] =	sst s1  }
0xa: {  	[smem:$0x3FB0] =	sst s2  }
0xb: {  	[smem:$0x3FB1] =	sst s3  }
0xc: {  	[smem:$0x3FB2] =	sst s4  }
0xd: {  	[smem:$0x3FB3] =	sst s5  }
0xe: {  	[smem:$0x3FB4] =	sst s6  }
0xf: {  	[smem:$0x3FB5] =	sst s7  }
0x10: {  	[smem:$0x3FB6] =	sst s8  }
0x11: {  	[smem:$0x3FB7] =	sst s9;
	s0 =	simm.s32 @!p0 $0x0  }
0x12: {  	s1 =	sld [smem:$0x3F9D];
	s0 =	simm.s32 @p0 $0x1  }
0x13: {  	[smem:$0x3FB8] =	sst s0;
	s0 =	simm.s32 @!p1 $0x0  }
0x14: {  	s2 =	sld [smem:$0x3F9C];
	s0 =	simm.s32 @p1 $0x1  }
0x15: {  	[smem:$0x3FB9] =	sst s0;
	s0 =	simm.s32 @!p2 $0x0  }
0x16: {  	s3 =	sld [smem:$0x3FDB];
	s0 =	simm.s32 @p2 $0x1  }
0x17: {  	s4 =	simm.s32 $0x1BF5;
	[smem:$0x3FBB] =	sst s0  }
0x18: {  	s0 =	sld [smem:$0x3F9E];
	_ =	swait.ge [sflag:s4], $0x0  }
0x19: {  	s7 =	sld [smem:$0x3F9F]  }
0x1a: {  	s8 =	sadd.s32 $0xFFFFE003, lr  }
0x1b: {  	s9 =	sadd.s32 $0xFFFFFEF7, lr;
	s5 =	simm.s32 $0xFFFFFFFF;
	p2 =	slt.u32 s8, $0xFFFFF086  }
0x1c: {  	p1 =	slt.u32 s9, $0xF7A;
	s5 =	simm.s32 @!p2 $0x0  }
0x1d: {  	s5 =	simm.s32 @p1 $0x1;
	p0 =	seq.s32 s7, s2  }
0x1e: {  	s7 =	smul.u32 @!p0 $0xF7A, s2;
	p2 =	seq.s32 @!p0 s5, $0x0  }
0x1f: {  	s9 =	smul.u32 $0xF7A, s1;
	s8 =	simm.s32 @!p0 $0x1BF5;
	p2 =	por !p2, p0  }
0x20: {  	[sflag:s8] =	ssyncset.s32 @!p0 $0xFFFFF086;
	s6 =	sadd.s32 @!p0 s3, s7;
	s7 =	simm.s32 @!p0 $0x108  }
0x21: {  	s3 =	sadd.s32 s3, s9;
	s6 =	sadd.s32 @!p0 $0x88, s6;
	s7 =	simm.s32 @p2 $0x1082  }
0x22: {  	[simem:s7], [sflag:s8] =	dma.local @!p0 [hbm:s6], $0xF7A  }
0x23: {  	s9 =	sor.u32 $0xD0000000, s2;
	s6 =	simm.s32 $0x108;
	_ =	swait.ge @!p0 [sflag:s8], $0x0  }
0x24: {  	s3 =	sadd.s32 $0x88, s3;
	s6 =	simm.s32 @!p1 $0x1082;
	[sflag:s4] =	ssyncset.s32 $0xFFFFF086  }
0x25: {  	[simem:s6], [sflag:s4] =	dma.local [hbm:s3], $0xF7A  }
0x26: {  	[smem:$0x3F9F] =	sst s1;
	(tag) =	ssettag s2;
	_ =	strace s9  }
0x27: {  	s1 =	sld [smem:$0x3FAF]  }
0x28: {  	s2 =	sld [smem:$0x3FB0]  }
0x29: {  	s4 =	sld [smem:$0x3FB2]  }
0x2a: {  	p0 =	seq.s32 s5, $0x0;
	s5 =	sld [smem:$0x3FB3]  }
0x2b: {  	s6 =	sld [smem:$0x3FB4]  }
0x2c: {  	s7 =	sld [smem:$0x3FB5]  }
0x2d: {  	s3 =	simm.s32 $0x108;
	s8 =	sld [smem:$0x3FB6]  }
0x2e: {  	s3 =	simm.s32 @!p0 $0x1082;
	s9 =	sld [smem:$0x3FB7]  }
0x2f: {  	lr =	sadd.s32 s0, s3;
	s0 =	sld [smem:$0x3FAE]  }
0x30: {  	s3 =	sld [smem:$0x3FB1]  }
0x31: {  	[smem:$0x3FBA] =	sst s10  }
0x32: {  	s10 =	sld [smem:$0x3FB8];
	_ =	sdelay $0x3  }
0x33: {  	p0 =	seq.s32 s10, $0x1;
	s10 =	sld [smem:$0x3FBA];
	_ =	sdelay $0x3  }
0x34: {  	[smem:$0x3FBA] =	sst s10  }
0x35: {  	s10 =	sld [smem:$0x3FB9];
	_ =	sdelay $0x3  }
0x36: {  	p1 =	seq.s32 s10, $0x1;
	s10 =	sld [smem:$0x3FBA];
	_ =	sdelay $0x3  }
0x37: {  	[smem:$0x3FBA] =	sst s10  }
0x38: {  	s10 =	sld [smem:$0x3FBB]  }
0x39: {  	_ = 	snop;
	(pc) =	sbr.ind lr, $3  }
0x3a: {  	_ = 	snop  }
0x3b: {  	_ = 	snop  }
0x3c: {  	p2 =	seq.s32 s10, $0x1;
	s10 =	sld [smem:$0x3FBA]  }
0x3d: {  	_ =	shalt  }
0x3e: {  	_ =	shalt  }
0x3f: {  	_ =	shalt  }
0x40: {  	_ =	shalt  }
0x41: {  	_ =	shalt  }
0x42: {  	_ =	shalt  }
0x43: {  	_ =	shalt  }
0x44: {  	_ =	shalt  }
0x45: {  	_ =	shalt  }
0x46: {  	_ =	shalt  }
0x47: {  	_ =	shalt  }
0x48: {  	_ =	shalt  }
0x49: {  	_ =	shalt  }
0x4a: {  	_ =	shalt  }
0x4b: {  	_ =	shalt  }
0x4c: {  	_ =	shalt  }
0x4d: {  	_ =	shalt  }
0x4e: {  	_ =	shalt  }
0x4f: {  	_ =	shalt  }
0x50: {  	_ =	shalt  }
0x51: {  	_ =	shalt  }
0x52: {  	_ =	shalt  }
0x53: {  	_ =	shalt  }
0x54: {  	_ =	shalt  }
0x55: {  	_ =	shalt  }
0x56: {  	_ =	shalt  }
0x57: {  	_ =	shalt  }
0x58: {  	_ =	shalt  }
0x59: {  	_ =	shalt  }
0x5a: {  	_ =	shalt  }
0x5b: {  	_ =	shalt  }
0x5c: {  	_ =	shalt  }
0x5d: {  	_ =	shalt  }
0x5e: {  	_ =	shalt  }
0x5f: {  	_ =	shalt  }
0x60: {  	_ =	shalt  }
0x61: {  	_ =	shalt  }
0x62: {  	_ =	shalt  }
0x63: {  	_ =	shalt  }
0x64: {  	_ =	shalt  }
0x65: {  	_ =	shalt  }
0x66: {  	_ =	shalt  }
0x67: {  	_ =	shalt  }
0x68: {  	_ =	shalt  }
0x69: {  	_ =	shalt  }
0x6a: {  	_ =	shalt  }
0x6b: {  	_ =	shalt  }
0x6c: {  	_ =	shalt  }
0x6d: {  	_ =	shalt  }
0x6e: {  	_ =	shalt  }
0x6f: {  	_ =	shalt  }
0x70: {  	_ =	shalt  }
0x71: {  	_ =	shalt  }
0x72: {  	_ =	shalt  }
0x73: {  	_ =	shalt  }
0x74: {  	_ =	shalt  }
0x75: {  	_ =	shalt  }
0x76: {  	_ =	shalt  }
0x77: {  	_ =	shalt  }
0x78: {  	_ =	shalt  }
0x79: {  	_ =	shalt  }
0x7a: {  	_ =	shalt  }
0x7b: {  	_ =	shalt  }
0x7c: {  	_ =	shalt  }
0x7d: {  	_ =	shalt  }
0x7e: {  	_ =	shalt  }
0x7f: {  	_ =	shalt  }
0x80: {  	_ =	shalt  }
0x81: {  	_ =	shalt  }
0x82: {  	_ =	shalt  }
0x83: {  	_ =	shalt  }
0x84: {  	_ =	shalt  }
0x85: {  	_ =	shalt  }
0x86: {  	_ =	shalt  }
0x87: {  	_ =	shalt  }
.Lfunc_end0:
.L_simem_size_0:
called_computation_lowered:
.L_overlay_start_0:
0x88: {  	s2 =	sld [smem:$0x3FD9]  }
0x89: {  	s3 =	sld [smem:$0x3FFE];
	_ =	sdelay $0x1  }
0x8a: {  	s1 =	srdreg.scid  }
0x8b: {  	s0 =	sand.u32 $0x1, s1  }
0x8c: {  	s17 =	sshll.u32 s0, $0xA;
	s2 =	sadd.s32 s3, s2  }
0x8d: {  	s2 =	sadd.s32 s2, s17  }
0x8e: {  	[smem:$0x3FC6] =	sst s2  }
0x8f: {  	_ = 	snop  }
0x90: {  	s2 =	sld [smem:$0x3FD0];
	(tm) =	ssettm $0x1  }
0x91: {  	s18 =	sld [smem:$0x3FFB];
	_ =	sdelay $0x3  }
0x92: {  	_ =	strace s18  }
0x93: {  	s3 =	sld [smem:$0x3FFC];
	_ =	sdelay $0x3  }
0x94: {  	_ =	strace s3  }
0x95: {  	s3 =	sld [smem:$0x3FFD];
	_ =	sdelay $0x3  }
0x96: {  	_ =	strace s3  }
0x97: {  	_ =	strace $0x8FFFFFFF  }
0x98: {  	s19 =	sld [smem:$0x3FDB];
	_ =	sdelay $0x1  }
0x99: {  	s4 =	simm.s32 $_scs_section_size  }
0x9a: {  	s5 =	simm.s32 $_size__tile_overlayer_lowered;
	s6 =	simm.s32 $_tile_overlayer_lowered  }
0x9b: {  	s22 =	simm.s32 $0x1BFF;
	s21 =	sshll.u32 s6, $0x1;
	s3 =	sadd.s32 s4, s19  }
0x9c: {  	s7 =	simm.s32 $0x0;
	s20 =	sshll.u32 s5, $0x1;
	s5 =	sadd.s32 s21, s3  }
0x9d: {  	[timem:s7], [sflag:s22] =	dma.local [hbm:s5], s20  }
0x9e: {  	_ =	swait.ge [sflag:s22], s20  }
0x9f: {  	s4 =	ssub.s32 $0x0, s20;
	[sflag:s22] =	ssyncset.done $0x0  }
0xa0: {  	[sflag:s22] =	ssyncadd.s32 s4;
	_ =	sdelay $0x1  }
0xa1: {  	s23 =	simm.s32 $0x1B8B  }
0xa2: {  	_ =	swait.ge [sflag:s23], $0x1  }
0xa3: {  	[sflag:s23] =	ssyncset.done $0x0  }
0xa4: {  	s25 =	simm.s32 $0x1B8E;
	s24 =	sld [smem:$0x3FFE];
	[sflag:s23] =	ssyncadd.s32 $0xFFFFFFFF  }
0xa5: {  	s26 =	simm.s32 $execute0_lowered;
	[smem:$0x3FD2] =	sst s25  }
0xa6: {  	s5 =	sshll.u32 s26, $0x1;
	_ =	strace $0x80000046;
	[dreg:$0x1] =	wrdreg $0xFFFFFFFF  }
0xa7: {  	s28 =	simm.s32 $_size_execute0_lowered;
	s3 =	sadd.s32 s3, s5;
	[dreg:$0x0] =	wrdreg $0x0  }
0xa8: {  	s5 =	sshll.u32 s28, $0x1;
	[dreg:$0x2] =	wrdreg s3  }
0xa9: {  	[dreg:$0x3] =	wrdreg s5  }
0xaa: {  	[dreg:$0x4] =	wrdreg $0xC0  }
0xab: {  	_ =	task [dreg:s7], $0x5FFFF  }
0xac: {  	[dreg:$0x1] =	wrdreg $0xFFFFFFFF  }
0xad: {  	[dreg:$0x0] =	wrdreg $0x60  }
0xae: {  	[dreg:$0x2] =	wrdreg s24  }
0xaf: {  	[dreg:$0x3] =	wrdreg s2  }
0xb0: {  	[dreg:$0x4] =	wrdreg $0x9  }
0xb1: {  	_ =	task.clear_ibuf [dreg:s7], $0x5FFFF;
	_ =	strace $0x90000046  }
0xb2: {  	s29 =	simm.s32 $0x9;
	_ =	strace $0x80000048  }
0xb3: {  	_ =	swait.ge [sflag:s29], $0x1  }
0xb4: {  	[sflag:s29] =	ssyncadd.s32 $0xFFFFFFFF  }
0xb5: {  	_ =	strace $0x90000048  }
0xb6: {  	_ =	sfence  }
0xb7: {  	s30 =	sld [smem:$0x0];
	_ =	sdelay $0x2  }
0xb8: {  	s31 =	sshll.u32 s1, $0xD;
	s1 =	sshrl.u32 s1, $0x2  }
0xb9: {  	s3 =	sand.u32 $0x4000, s31;
	s1 =	sadd.s32 s1, s30  }
0xba: {  	s0 =	sor.u32 s3, s0;
	s1 =	sshll.u32 s1, $0x11  }
0xbb: {  	s0 =	sor.u32 s1, s0  }
0xbc: {  	s0 =	sadd.s32 $0x8F2B, s0  }
0xbd: {  	[sflag:s0] =	ssyncadd.remote.s32 $0x1  }
0xbe: {  	_ =	sfence.sel $0xFFFF  }
0xbf: {  	[dreg:$0x0] =	wrdreg $0xFFFFFFFF;
	(pc) =	sbr.abs _section_cstart, $3  }
0xc0: {  	[dreg:$0x1] =	wrdreg $0xFFFFFFFF  }
0xc1: {  	_ =	task.clear_ibuf [dreg:s7], $0x2FFFF;
	_ =	strace $0x9FFFFFFF  }
0xc2: {  	(tm) =	ssettm $0x7FFFFFFF  }
0xc3: {  	_ =	shalt  }
tec
execute0_lowered:
.L_overlay_start_1:
0x0: {  	(tag) =	ssettag $0x1  }
0x1: {  	s6 =	rddreg [dreg:$0x0]  }
0x2: {  	s1 =	rddreg [dreg:$0x1]  }
0x3: {  	s0 =	rddreg [dreg:$0x2]  }
0x4: {  	s3 =	simm.s32 $0x0;
	s4 =	srdreg.scid;
	s2 =	stileid.u32  }
0x5: {  	s10 =	simm.s32 $0x100;
	s11 =	simm.s32 $0x200;
	s12 =	simm.s32 $0x400  }
0x6: {  	s13 =	simm.s32 $0x300;
	s14 =	simm.s32 $0x4400;
	s15 =	simm.s32 $0x1  }
0x7: {  	s16 =	simm.s32 $0x8400;
	s17 =	simm.s32 $0x2;
	s18 =	simm.s32 $0x0  }
0x8: {  	[smem:$0x7FF] =	sst s3;
	s4 =	sand.u32 $0x1, s4;
	s5 =	sshll.u32 s2, $0xA  }
0x9: {  	v0 =	vlaneseq.u32;
	_ =	strace $0x80000047;
	s7 =	ssub.s32 $0x2, s4;
	s8 =	sshll.u32 s4, $0x9  }
0xa: {  	v0 =	vmul.u32 $0x108, v0;
	s4 =	sadd.s32 $0x400, s6;
	s9 =	sshrl.u32 s7, $0x1;
	s5 =	sor.u32 s8, s5  }
0xb: {  	s6 =	sadd.s32 $0x7A2400, s6;
	s30 =	ssub.s32 s7, s9;
	s31 =	sshrl.u32 s5, $0x3  }
0xc: {  	v1 =	vadd.s32 $0x1080, v0;
	v2 =	vadd.s32 $0x2100, v0;
	v3 =	vadd.s32 $0x3180, v0;
	s9 =	simm.s32 $0x3;
	s7 =	sadd.s32 s1, s31;
	s8 =	smax.u32 s30, $0x1  }
.LBB2_1:
0xd: {  	[tilespmem:s3], [sflag:$0x3] =	stream.linear.gather [hbm4b:s7+s3], $0x200, $0x38;
	[tilespmem:$0xC600] =	vst v63  }
0xe: {  	_ =	swait.ge [sflag:s9], $0x200  }
0xf: {  	[sflag:s9] =	ssyncset.done $0x0  }
0x10: {  	[sflag:s9] =	ssyncadd.s32 $0xFFFFFE00  }
0x11: {  	v4 =	vld [tilespmem:$0x0]  }
0x12: {  	v5 =	vld [tilespmem:$0x10]  }
0x13: {  	v6 =	vld [tilespmem:$0x20]  }
0x14: {  	v9 =	vld [tilespmem:$0x30]  }
0x15: {  	v10 =	vld [tilespmem:$0x40]  }
0x16: {  	v12 =	vld [tilespmem:$0x50]  }
0x17: {  	v52 =	vld [tilespmem:$0x60]  }
0x18: {  	v13 =	vld [tilespmem:$0x70];
	v7 =	vshll.u32 v4, $0x1  }
0x19: {  	v56 =	vld [tilespmem:$0x80];
	v8 =	vand.u32 $0xFFFFFC00, v4;
	v4 =	vshrl.u32 v4, $0x9;
	v44 =	vshll.u32 v5, $0x1  }
0x1a: {  	v15 =	vld [tilespmem:$0x90];
	v45 =	vand.u32 $0xFFFFFC00, v5;
	v5 =	vshrl.u32 v5, $0x9;
	v46 =	vshll.u32 v6, $0x1  }
0x1b: {  	v16 =	vld [tilespmem:$0xA0];
	v11 =	vand.u32 $0xFFFFFC00, v6;
	v6 =	vshrl.u32 v6, $0x9;
	v48 =	vshll.u32 v9, $0x1  }
0x1c: {  	v63 =	vld [tilespmem:$0xB0];
	v49 =	vand.u32 $0xFFFFFC00, v9;
	v9 =	vshrl.u32 v9, $0x9;
	v51 =	vshll.u32 v10, $0x1  }
0x1d: {  	v18 =	vld [tilespmem:$0xC0];
	v53 =	vand.u32 $0xFFFFFC00, v10;
	v54 =	vshrl.u32 v10, $0x9;
	v55 =	vshll.u32 v12, $0x1  }
0x1e: {  	v26 =	vld [tilespmem:$0xE0];
	v14 =	vand.u32 $0xFFFFFC00, v12;
	v12 =	vshrl.u32 v12, $0x9;
	v57 =	vshll.u32 v52, $0x1  }
0x1f: {  	v34 =	vld [tilespmem:$0x110];
	v58 =	vand.u32 $0xFFFFFC00, v52;
	v59 =	vshll.u32 v13, $0x1;
	v60 =	vand.u32 $0xFFFFFC00, v13  }
0x20: {  	v61 =	vshrl.u32 v13, $0x9;
	v62 =	vshll.u32 v56, $0x1;
	v17 =	vand.u32 $0xFFFFFC00, v56  }
0x21: {  	v19 =	vshll.u32 v15, $0x1;
	v20 =	vand.u32 $0xFFFFFC00, v15;
	v15 =	vshrl.u32 v15, $0x9  }
0x22: {  	v22 =	vshll.u32 v16, $0x1;
	v23 =	vand.u32 $0xFFFFFC00, v16;
	v24 =	vshrl.u32 v16, $0x9  }
0x23: {  	v25 =	vshll.u32 v63, $0x1;
	v27 =	vshll.u32 v18, $0x1;
	v28 =	vand.u32 $0xFFFFFC00, v18  }
0x24: {  	v18 =	vshrl.u32 v18, $0x9;
	v33 =	vshll.u32 v26, $0x1;
	v41 =	vshll.u32 v34, $0x1  }
0x25: {  	v7 =	vand.u32 $0x3FE, v7;
	v4 =	vand.u32 $0x1, v4;
	v5 =	vand.u32 $0x1, v5  }
0x26: {  	v47 =	vand.u32 $0x1, v6;
	v50 =	vand.u32 $0x1, v9;
	v9 =	vand.u32 $0x3FE, v51  }
0x27: {  	v10 =	vand.u32 $0x3FE, v55;
	v12 =	vand.u32 $0x1, v12;
	v13 =	vand.u32 $0x3FE, v62  }
0x28: {  	v21 =	vand.u32 $0x1, v15;
	v15 =	vand.u32 $0x3FE, v22;
	v16 =	vand.u32 $0x3FE, v25  }
0x29: {  	v42 =	vld [tilespmem:$0x140];
	v29 =	vand.u32 $0x1, v18;
	v7 =	vor.u32 v8, v7;
	v8 =	vand.u32 $0x3FE, v44  }
0x2a: {  	v10 =	vor.u32 v14, v10;
	v14 =	vshrl.u32 v56, $0x9;
	v13 =	vor.u32 v17, v13  }
0x2b: {  	v17 =	vshrl.u32 v63, $0x9;
	v4 =	vor.u32 v4, v7;
	v7 =	vor.u32 v45, v8  }
0x2c: {  	v8 =	vand.u32 $0x3FE, v46;
	v14 =	vand.u32 $0x1, v14;
	v17 =	vand.u32 $0x1, v17  }
0x2d: {  	v22 =	vld [tilespmem:$0x100];
	v8 =	vor.u32 v11, v8;
	v6 =	vor.u32 v5, v7;
	v7 =	vand.u32 $0x3FE, v48  }
0x2e: {  	v25 =	vld [tilespmem:$0x130];
	v11 =	vshrl.u32 v52, $0x9;
	v52 =	vshll.u32 v42, $0x1;
	v5 =	vor.u32 v47, v8  }
0x2f: {  	v7 =	vor.u32 v49, v7;
	v8 =	vor.u32 v53, v9;
	v9 =	vand.u32 $0x1, v54  }
0x30: {  	v11 =	vand.u32 $0x1, v11;
	v54 =	vshrl.u32 v42, $0x9;
	v7 =	vor.u32 v50, v7  }
0x31: {  	v8 =	vor.u32 v9, v8;
	v9 =	vor.u32 v12, v10;
	v10 =	vand.u32 $0x3FE, v57  }
0x32: {  	v12 =	vand.u32 $0x3FE, v59;
	v38 =	vshll.u32 v22, $0x1;
	v39 =	vand.u32 $0xFFFFFC00, v22  }
0x33: {  	v40 =	vshrl.u32 v22, $0x9;
	v22 =	vand.u32 $0x3FE, v41;
	v47 =	vshll.u32 v25, $0x1  }
0x34: {  	v48 =	vand.u32 $0xFFFFFC00, v25;
	v51 =	vshrl.u32 v25, $0x9;
	[tilespmem:$0x220] =	vst v5;
	v5 =	vand.u32 $0xFFFFFC00, v42  }
0x35: {  	v56 =	vand.u32 $0x1, v54;
	v10 =	vor.u32 v58, v10;
	v49 =	vand.u32 $0x3FE, v47  }
0x36: {  	v53 =	vld [tilespmem:$0x160];
	v10 =	vor.u32 v11, v10;
	v11 =	vor.u32 v60, v12;
	v12 =	vand.u32 $0x1, v61  }
0x37: {  	v55 =	vand.u32 $0x1, v51;
	v50 =	vor.u32 v48, v49;
	v11 =	vor.u32 v12, v11  }
0x38: {  	v57 =	vld [tilespmem:$0x170];
	v12 =	vor.u32 v14, v13;
	v13 =	vand.u32 $0x3FE, v19;
	v14 =	vor.u32 v23, v15  }
0x39: {  	[tilespmem:$0x210] =	vst v6;
	v15 =	vand.u32 $0x1, v24;
	v23 =	vand.u32 $0xFFFFFC00, v26;
	v6 =	vor.u32 v55, v50  }
0x3a: {  	v19 =	vld [tilespmem:$0xD0];
	v13 =	vor.u32 v20, v13;
	v20 =	vand.u32 $0xFFFFFC00, v63;
	v14 =	vor.u32 v15, v14  }
0x3b: {  	v62 =	vshll.u32 v53, $0x1;
	v13 =	vor.u32 v21, v13;
	v16 =	vor.u32 v20, v16  }
0x3c: {  	[tilespmem:$0x250] =	vst v9;
	v24 =	vld [tilespmem:$0x120];
	v20 =	vshrl.u32 v26, $0x9;
	v26 =	vand.u32 $0xFFFFFC00, v34;
	v9 =	vand.u32 $0x3FE, v62  }
0x3d: {  	v25 =	vshll.u32 v57, $0x1;
	v15 =	vor.u32 v17, v16;
	v16 =	vand.u32 $0x3FE, v27  }
0x3e: {  	[tilespmem:$0x270] =	vst v11;
	v20 =	vand.u32 $0x1, v20;
	v22 =	vor.u32 v26, v22;
	v11 =	vand.u32 $0x3FE, v25  }
0x3f: {  	v63 =	vld [tilespmem:$0x180];
	v16 =	vor.u32 v28, v16;
	v28 =	vshrl.u32 v57, $0x9;
	v30 =	vshll.u32 v19, $0x1  }
0x40: {  	v21 =	vld [tilespmem:$0xF0];
	v16 =	vor.u32 v29, v16;
	v31 =	vand.u32 $0xFFFFFC00, v19;
	v32 =	vshrl.u32 v19, $0x9  }
0x41: {  	v19 =	vand.u32 $0x3FE, v33;
	v44 =	vshll.u32 v24, $0x1;
	v45 =	vand.u32 $0xFFFFFC00, v24  }
0x42: {  	v24 =	vshrl.u32 v24, $0x9;
	v29 =	vand.u32 $0x1, v28;
	v18 =	vand.u32 $0x3FE, v30  }
0x43: {  	v19 =	vor.u32 v23, v19;
	v23 =	vshrl.u32 v34, $0x9;
	v46 =	vand.u32 $0x1, v24  }
0x44: {  	[tilespmem:$0x260] =	vst v10;
	v24 =	vshrl.u32 v53, $0x9;
	v33 =	vand.u32 $0xFFFFFC00, v63;
	v10 =	vshrl.u32 v63, $0x9  }
0x45: {  	v27 =	vld [tilespmem:$0x150];
	v17 =	vor.u32 v31, v18;
	v18 =	vand.u32 $0x1, v32;
	v35 =	vshll.u32 v21, $0x1  }
0x46: {  	v26 =	vld [tilespmem:$0x190];
	v36 =	vand.u32 $0xFFFFFC00, v21;
	v21 =	vshrl.u32 v21, $0x9;
	v23 =	vand.u32 $0x1, v23  }
0x47: {  	v47 =	vld [tilespmem:$0x1E0];
	v32 =	vshll.u32 v63, $0x1;
	v10 =	vand.u32 $0x1, v10;
	v17 =	vor.u32 v18, v17  }
0x48: {  	v18 =	vor.u32 v20, v19;
	v19 =	vand.u32 $0x3FE, v35;
	v37 =	vand.u32 $0x1, v21  }
0x49: {  	v21 =	vand.u32 $0x3FE, v38;
	v43 =	vor.u32 v23, v22;
	v22 =	vand.u32 $0x3FE, v44  }
0x4a: {  	[tilespmem:$0x200] =	vst v4;
	v23 =	vand.u32 $0x3FE, v52;
	v58 =	vshll.u32 v27, $0x1;
	v59 =	vand.u32 $0xFFFFFC00, v27  }
0x4b: {  	[tilespmem:$0x230] =	vst v7;
	v60 =	vshrl.u32 v27, $0x9;
	v27 =	vand.u32 $0xFFFFFC00, v57;
	v34 =	vshll.u32 v26, $0x1  }
0x4c: {  	[tilespmem:$0x280] =	vst v12;
	v12 =	vshrl.u32 v26, $0x9;
	v57 =	vshll.u32 v47, $0x1;
	v19 =	vor.u32 v36, v19  }
0x4d: {  	[tilespmem:$0x240] =	vst v8;
	v20 =	vor.u32 v39, v21;
	v21 =	vand.u32 $0x1, v40;
	v22 =	vor.u32 v45, v22  }
0x4e: {  	[tilespmem:$0x330] =	vst v6;
	v5 =	vor.u32 v5, v23;
	v7 =	vand.u32 $0x3FE, v58;
	v61 =	vand.u32 $0x1, v60  }
0x4f: {  	[tilespmem:$0x290] =	vst v13;
	v11 =	vor.u32 v27, v11;
	v36 =	vand.u32 $0xFFFFFC00, v26;
	v13 =	vand.u32 $0x3FE, v34  }
0x50: {  	[tilespmem:$0x2A0] =	vst v14;
	v30 =	vld [tilespmem:$0x1A0];
	v12 =	vand.u32 $0x1, v12;
	v58 =	vand.u32 $0xFFFFFC00, v47;
	v19 =	vor.u32 v37, v19  }
0x51: {  	[tilespmem:$0x2B0] =	vst v15;
	v20 =	vor.u32 v21, v20;
	v4 =	vor.u32 v46, v22;
	v5 =	vor.u32 v56, v5  }
0x52: {  	[tilespmem:$0x2C0] =	vst v16;
	v7 =	vor.u32 v59, v7;
	v22 =	vand.u32 $0xFFFFFC00, v53;
	v31 =	vor.u32 v29, v11  }
0x53: {  	v35 =	vld [tilespmem:$0x1B0];
	[tilespmem:$0x2D0] =	vst v17;
	v11 =	vand.u32 $0x3FE, v32;
	v59 =	vshrl.u32 v47, $0x9;
	v7 =	vor.u32 v61, v7  }
0x54: {  	v38 =	vld [tilespmem:$0x1C0];
	[tilespmem:$0x2E0] =	vst v18;
	v8 =	vor.u32 v22, v9;
	v9 =	vand.u32 $0x1, v24;
	v11 =	vor.u32 v33, v11  }
0x55: {  	v52 =	vld [tilespmem:$0x1F0];
	[tilespmem:$0x310] =	vst v43;
	v37 =	vshll.u32 v30, $0x1;
	v39 =	vand.u32 $0xFFFFFC00, v30;
	v14 =	vshrl.u32 v30, $0x9  }
0x56: {  	[tilespmem:$0x2F0] =	vst v19;
	v60 =	vand.u32 $0x1, v59;
	v8 =	vor.u32 v9, v8;
	v10 =	vor.u32 v10, v11  }
0x57: {  	v40 =	vld [tilespmem:$0x1D0];
	[tilespmem:$0x300] =	vst v20;
	v11 =	vor.u32 v36, v13;
	v13 =	vand.u32 $0x3FE, v37;
	v14 =	vand.u32 $0x1, v14  }
0x58: {  	[tilespmem:$0x320] =	vst v4;
	v13 =	vor.u32 v39, v13;
	v4 =	vor.u32 v12, v11;
	v42 =	vshll.u32 v35, $0x1  }
0x59: {  	[tilespmem:$0x340] =	vst v5;
	v43 =	vand.u32 $0xFFFFFC00, v35;
	v44 =	vshrl.u32 v35, $0x9;
	v46 =	vshll.u32 v38, $0x1  }
0x5a: {  	[tilespmem:$0x370] =	vst v31;
	v48 =	vand.u32 $0xFFFFFC00, v38;
	v50 =	vshrl.u32 v38, $0x9;
	v61 =	vshll.u32 v52, $0x1  }
0x5b: {  	[tilespmem:$0x350] =	vst v7;
	v62 =	vshrl.u32 v52, $0x9;
	v41 =	vor.u32 v14, v13;
	v12 =	vand.u32 $0x3FE, v42  }
0x5c: {  	[tilespmem:$0x360] =	vst v8;
	v45 =	vand.u32 $0x1, v44;
	v49 =	vand.u32 $0x3FE, v46;
	v51 =	vshll.u32 v40, $0x1  }
0x5d: {  	[tilespmem:$0x380] =	vst v10;
	v53 =	vand.u32 $0xFFFFFC00, v40;
	v54 =	vshrl.u32 v40, $0x9;
	v7 =	vand.u32 $0x1, v50  }
0x5e: {  	[tilespmem:$0x390] =	vst v4;
	v5 =	vor.u32 v43, v12;
	v6 =	vor.u32 v48, v49;
	v8 =	vand.u32 $0x3FE, v51  }
0x5f: {  	v55 =	vand.u32 $0x1, v54;
	[tilespmem:$0x3A0] =	vst v41;
	v5 =	vor.u32 v45, v5;
	v8 =	vor.u32 v53, v8  }
0x60: {  	v4 =	vor.u32 v7, v6;
	v7 =	vand.u32 $0x3FE, v57;
	v56 =	vor.u32 v55, v8;
	[tilespmem:$0x3B0] =	vst v5  }
0x61: {  	v5 =	vor.u32 v58, v7;
	[tilespmem:$0x3C0] =	vst v4;
	v4 =	vand.u32 $0xFFFFFC00, v52;
	v8 =	vand.u32 $0x3FE, v61  }
0x62: {  	v63 =	vand.u32 $0x1, v62;
	[tilespmem:$0x3D0] =	vst v56;
	v5 =	vor.u32 v60, v5;
	v4 =	vor.u32 v4, v8  }
0x63: {  	[tilespmem:$0x3E0] =	vst v5;
	v4 =	vor.u32 v63, v4  }
0x64: {  	s19 =	simm.s32 $0x0;
	[tilespmem:$0x3F0] =	vst v4  }
0x65: {  	[tilespmem:s12], [sflag:$0x1] =	stream.indirect.gather [hbm4b:s4+s10], $0x40, s11, s10, $0xb8;
	[tilespmem:$0xC600] =	vst v63  }
.LBB2_2:
0x66: {  	[tilespmem:s14], [sflag:$0x2] =	stream.indirect.gather [hbm4b:s4+s10], $0x40, s13, s10, $0xb8;
	[tilespmem:$0xC600] =	vst v63  }
0x67: {  	s20 =	simm.s32 $0x1;
	_ =	swait.ge [sflag:s15], $0x4000  }
0x68: {  	s21 =	simm.s32 $0x0;
	v4 =	vmov s20;
	[sflag:s15] =	ssyncset.done $0x0  }
0x69: {  	s23 =	simm.s32 $0x440;
	v5 =	vmov s21;
	v8 =	vand.u32 $0xFF, v4;
	[sflag:s15] =	ssyncadd.s32 $0xFFFFC000  }
0x6a: {  	v11 =	vand.u32 $0xFE, v5;
	v5 =	vadd.s32 v0, v8;
	v4 =	vld [tilespmem:s23+$0x0]  }
0x6b: {  	v7 =	vadd.s32 v0, v11;
	v6 =	vld [tilespmem:s23+$0xFFFFFFC0];
	_ =	sdelay $0x3  }
0x6c: {  	s28 =	simm.s32 $0x3;
	[tilespmem:v5+s16+$0x0] =	vst.idx.msk $0xffff, v4  }
0x6d: {  	s29 =	simm.s32 $0x2;
	v4 =	vmov s28;
	[tilespmem:v7+s16+$0x0] =	vst.idx.msk $0xffff, v6;
	v7 =	vadd.s32 v1, v8;
	v6 =	vld [tilespmem:s23+$0x10]  }
0x6e: {  	s20 =	simm.s32 $0x4C0;
	v10 =	vadd.s32 v1, v11;
	v5 =	vmov s29;
	v4 =	vand.u32 $0xFF, v4;
	v9 =	vld [tilespmem:s23+$0xFFFFFFD0]  }
0x6f: {  	v12 =	vld [tilespmem:s20+$0x0];
	v5 =	vand.u32 $0xFE, v5;
	v13 =	vadd.s32 v0, v4  }
0x70: {  	v14 =	vld [tilespmem:s20+$0xFFFFFFC0];
	v15 =	vadd.s32 v0, v5;
	_ =	sdelay $0x1  }
0x71: {  	[tilespmem:v7+s16+$0x0] =	vst.idx.msk $0xffff, v6  }
0x72: {  	[tilespmem:v10+s16+$0x0] =	vst.idx.msk $0xffff, v9;
	v9 =	vadd.s32 v2, v8;
	v7 =	vld [tilespmem:s23+$0x20]  }
0x73: {  	[tilespmem:v13+s16+$0x0] =	vst.idx.msk $0xffff, v12;
	v10 =	vld [tilespmem:s23+$0xFFFFFFE0];
	v12 =	vadd.s32 v2, v11  }
0x74: {  	s30 =	simm.s32 $0x5;
	[tilespmem:v15+s16+$0x0] =	vst.idx.msk $0xffff, v14;
	v14 =	vadd.s32 v1, v4;
	v13 =	vld [tilespmem:s20+$0x10]  }
0x75: {  	s31 =	simm.s32 $0x4;
	v6 =	vmov s30  }
0x76: {  	s22 =	simm.s32 $0x540;
	v17 =	vmov s31;
	v18 =	vadd.s32 v1, v5;
	v6 =	vand.u32 $0xFF, v6;
	v15 =	vld [tilespmem:s20+$0xFFFFFFD0]  }
0x77: {  	v19 =	vld [tilespmem:s22+$0x0];
	v20 =	vadd.s32 v0, v6;
	[tilespmem:v9+s16+$0x0] =	vst.idx.msk $0xffff, v7;
	v7 =	vand.u32 $0xFE, v17  }
0x78: {  	v16 =	vld [tilespmem:s22+$0xFFFFFFC0];
	[tilespmem:v12+s16+$0x0] =	vst.idx.msk $0xffff, v10;
	v17 =	vadd.s32 v0, v7  }
0x79: {  	v9 =	vld [tilespmem:s23+$0x30];
	[tilespmem:v14+s16+$0x0] =	vst.idx.msk $0xffff, v13;
	v14 =	vadd.s32 v3, v8  }
0x7a: {  	v12 =	vadd.s32 v3, v11;
	v10 =	vld [tilespmem:s23+$0xFFFFFFF0]  }
0x7b: {  	s25 =	simm.s32 $0x7;
	v11 =	vadd.s32 v2, v4;
	[tilespmem:v18+s16+$0x0] =	vst.idx.msk $0xffff, v15;
	v8 =	vld [tilespmem:s20+$0x20]  }
0x7c: {  	s24 =	simm.s32 $0x8;
	s21 =	simm.s32 $0x540;
	s23 =	simm.s32 $0x6;
	[tilespmem:v20+s16+$0x0] =	vst.idx.msk $0xffff, v19;
	v15 =	vadd.s32 v2, v5;
	v13 =	vld [tilespmem:s20+$0xFFFFFFE0]  }
.LBB2_3:
0x7d: {  	p0 =	slt.u32 s24, $0xFE;
	v18 =	vmov s25;
	[tilespmem:v17+s16+$0x0] =	vst.idx.msk $0xffff, v16;
	v19 =	vld [tilespmem:s22+$0x10];
	v20 =	vadd.s32 v1, v6  }
0x7e: {  	v16 =	vmov s23;
	v22 =	vadd.s32 v1, v7;
	s22 =	sadd.s32 $0x80, s22;
	s23 =	smov.u32 s24;
	v18 =	vand.u32 $0xFF, v18;
	v21 =	vld [tilespmem:s21+$0xFFFFFFD0];
	[tilespmem:v14+s16+$0x0] =	vst.idx.msk $0xffff, v9  }
0x7f: {  	v23 =	vand.u32 $0xFE, v16;
	v24 =	vld [tilespmem:s22+$0x0];
	v25 =	vadd.s32 v0, v18;
	[tilespmem:v12+s16+$0x0] =	vst.idx.msk $0xffff, v10  }
.Ltmp0:
0x80: {  	v17 =	vadd.s32 v0, v23;
	v16 =	vld [tilespmem:s22+$0xFFFFFFC0];
	[tilespmem:v11+s16+$0x0] =	vst.idx.msk $0xffff, v8;
	(pc) =	sbr.rel @p0 .LBB2_3-.Ltmp0, $4  }
0x81: {  	v14 =	vadd.s32 v3, v4;
	v4 =	vmov v6;
	v6 =	vmov v18;
	[tilespmem:v15+s16+$0x0] =	vst.idx.msk $0xffff, v13;
	v9 =	vld [tilespmem:s20+$0x30]  }
0x82: {  	v12 =	vadd.s32 v3, v5;
	v5 =	vmov v7;
	v7 =	vmov v23;
	[tilespmem:v20+s16+$0x0] =	vst.idx.msk $0xffff, v19;
	v10 =	vld [tilespmem:s20+$0xFFFFFFF0];
	s20 =	smov.u32 s21;
	s21 =	smov.u32 s22  }
0x83: {  	v11 =	vadd.s32 v2, v4;
	[tilespmem:v22+s16+$0x0] =	vst.idx.msk $0xffff, v21;
	v8 =	vld [tilespmem:s20+$0x20]  }
0x84: {  	s24 =	sadd.s32 $0x2, s24;
	s25 =	sadd.s32 $0x1, s23;
	v15 =	vadd.s32 v2, v5;
	[tilespmem:v25+s16+$0x0] =	vst.idx.msk $0xffff, v24;
	v13 =	vld [tilespmem:s20+$0xFFFFFFE0]  }
0x85: {  	v18 =	vmov s25  }
0x86: {  	v19 =	vmov s23;
	s29 =	sadd.s32 $0x80, s22;
	v18 =	vand.u32 $0xFF, v18  }
0x87: {  	v19 =	vand.u32 $0xFE, v19;
	v20 =	vld [tilespmem:s29+$0x0];
	v21 =	vadd.s32 v0, v18  }
0x88: {  	v22 =	vld [tilespmem:s29+$0xFFFFFFC0];
	v23 =	vadd.s32 v0, v19;
	_ =	sdelay $0x2  }
0x89: {  	[tilespmem:v17+s16+$0x0] =	vst.idx.msk $0xffff, v16;
	v41 =	vld [tilespmem:s22+$0x10];
	v42 =	vadd.s32 v1, v6  }
0x8a: {  	v44 =	vadd.s32 v1, v7;
	v43 =	vld [tilespmem:s21+$0xFFFFFFD0];
	[tilespmem:v21+s16+$0x0] =	vst.idx.msk $0xffff, v20  }
0x8b: {  	v46 =	vadd.s32 v1, v18;
	[tilespmem:v23+s16+$0x0] =	vst.idx.msk $0xffff, v22;
	v45 =	vld [tilespmem:s29+$0x10]  }
0x8c: {  	[tilespmem:v14+s16+$0x0] =	vst.idx.msk $0xffff, v9;
	v48 =	vadd.s32 v1, v19;
	v47 =	vld [tilespmem:s29+$0xFFFFFFD0]  }
0x8d: {  	[tilespmem:v12+s16+$0x0] =	vst.idx.msk $0xffff, v10  }
0x8e: {  	[tilespmem:v42+s16+$0x0] =	vst.idx.msk $0xffff, v41  }
0x8f: {  	v50 =	vadd.s32 v2, v6;
	[tilespmem:v44+s16+$0x0] =	vst.idx.msk $0xffff, v43;
	v49 =	vld [tilespmem:s21+$0x20]  }
0x90: {  	v52 =	vadd.s32 v2, v7;
	v51 =	vld [tilespmem:s21+$0xFFFFFFE0];
	[tilespmem:v46+s16+$0x0] =	vst.idx.msk $0xffff, v45  }
0x91: {  	v54 =	vadd.s32 v2, v18;
	[tilespmem:v48+s16+$0x0] =	vst.idx.msk $0xffff, v47;
	v53 =	vld [tilespmem:s29+$0x20]  }
0x92: {  	v56 =	vadd.s32 v2, v19;
	[tilespmem:v11+s16+$0x0] =	vst.idx.msk $0xffff, v8;
	v55 =	vld [tilespmem:s29+$0xFFFFFFE0]  }
0x93: {  	v4 =	vadd.s32 v3, v4;
	[tilespmem:v15+s16+$0x0] =	vst.idx.msk $0xffff, v13;
	v57 =	vld [tilespmem:s20+$0x30]  }
0x94: {  	v5 =	vadd.s32 v3, v5;
	v15 =	vld [tilespmem:s20+$0xFFFFFFF0];
	[tilespmem:v50+s16+$0x0] =	vst.idx.msk $0xffff, v49  }
0x95: {  	v58 =	vadd.s32 v3, v6;
	[tilespmem:v52+s16+$0x0] =	vst.idx.msk $0xffff, v51;
	v10 =	vld [tilespmem:s21+$0x30]  }
0x96: {  	v60 =	vadd.s32 v3, v7;
	v59 =	vld [tilespmem:s21+$0xFFFFFFF0];
	[tilespmem:v54+s16+$0x0] =	vst.idx.msk $0xffff, v53  }
0x97: {  	v62 =	vadd.s32 v3, v18;
	[tilespmem:v56+s16+$0x0] =	vst.idx.msk $0xffff, v55;
	v61 =	vld [tilespmem:s29+$0x30]  }
0x98: {  	v63 =	vadd.s32 v3, v19;
	[tilespmem:v4+s16+$0x0] =	vst.idx.msk $0xffff, v57;
	v4 =	vld [tilespmem:s29+$0xFFFFFFF0]  }
0x99: {  	[tilespmem:v5+s16+$0x0] =	vst.idx.msk $0xffff, v15  }
0x9a: {  	s30 =	sshll.u32 s19, $0x14;
	[tilespmem:v58+s16+$0x0] =	vst.idx.msk $0xffff, v10  }
0x9b: {  	s20 =	sor.u32 s5, s30;
	[tilespmem:v60+s16+$0x0] =	vst.idx.msk $0xffff, v59  }
0x9c: {  	s20 =	sshrl.u32 s20, $0x3;
	[tilespmem:v62+s16+$0x0] =	vst.idx.msk $0xffff, v61  }
0x9d: {  	s31 =	simm.s32 $0x8400;
	s22 =	simm.s32 $0x420;
	s21 =	sadd.s32 s6, s20;
	[tilespmem:v63+s16+$0x0] =	vst.idx.msk $0xffff, v4  }
0x9e: {  	[hbm4b:s21+s3] =	stream.linear.scatter [tilespmem:s31], [sflag:$0x3], $0x100, $0x38;
	[tilespmem:$0xC600] =	vst v63  }
.LBB2_5:
0x9f: {  	p0 =	sne.s32 s22, $0x103E0  }
.Ltmp1:
0xa0: {  	_ = 	snop;
	(pc) =	sbr.rel @p0 .LBB2_5-.Ltmp1, $4  }
0xa1: {  	_ = 	snop  }
0xa2: {  	s23 =	sshra.s32 s22, $0x2;
	s22 =	sadd.s32 $0x420, s22  }
0xa3: {  	s21 =	sadd.s32 $0x800, s21;
	s23 =	sadd.s32 $0x8400, s23  }
0xa4: {  	[hbm4b:s21+s3] =	stream.linear.scatter [tilespmem:s23], [sflag:$0x3], $0x100, $0x38;
	[tilespmem:$0xC600] =	vst v63  }
0xa5: {  	p0 =	seq.s32 s19, $0x13  }
.Ltmp2:
0xa6: {  	_ = 	snop;
	(pc) =	sbr.rel @p0 .LBB2_8-.Ltmp2, $4  }
0xa7: {  	_ = 	snop  }
0xa8: {  	_ =	swait.ge [sflag:s9], $0x4000  }
0xa9: {  	[sflag:s9] =	ssyncset.done $0x0  }
0xaa: {  	s19 =	sadd.s32 $0x1, s19;
	[sflag:s9] =	ssyncadd.s32 $0xFFFFC000  }
0xab: {  	s21 =	sshll.u32 s19, $0xE  }
0xac: {  	s21 =	sor.u32 s5, s21  }
0xad: {  	s21 =	sshrl.u32 s21, $0x3  }
0xae: {  	s21 =	sadd.s32 s1, s21  }
0xaf: {  	[tilespmem:s3], [sflag:$0x3] =	stream.linear.gather [hbm4b:s21+s3], $0x200, $0x38;
	[tilespmem:$0xC600] =	vst v63  }
0xb0: {  	_ =	swait.ge [sflag:s9], $0x200  }
0xb1: {  	[sflag:s9] =	ssyncset.done $0x0  }
0xb2: {  	[sflag:s9] =	ssyncadd.s32 $0xFFFFFE00  }
0xb3: {  	v4 =	vld [tilespmem:$0x0]  }
0xb4: {  	v5 =	vld [tilespmem:$0x10]  }
0xb5: {  	v7 =	vld [tilespmem:$0x20]  }
0xb6: {  	v9 =	vld [tilespmem:$0x30]  }
0xb7: {  	v17 =	vld [tilespmem:$0x40]  }
0xb8: {  	v11 =	vld [tilespmem:$0x50]  }
0xb9: {  	v12 =	vld [tilespmem:$0x60]  }
0xba: {  	v24 =	vld [tilespmem:$0x70];
	v6 =	vshll.u32 v4, $0x1;
	v8 =	vand.u32 $0xFFFFFC00, v4;
	v4 =	vshrl.u32 v4, $0x9  }
0xbb: {  	v14 =	vld [tilespmem:$0x80];
	v16 =	vshll.u32 v5, $0x1;
	v10 =	vand.u32 $0xFFFFFC00, v5;
	v5 =	vshrl.u32 v5, $0x9  }
0xbc: {  	v15 =	vld [tilespmem:$0x90];
	v18 =	vshll.u32 v7, $0x1;
	v19 =	vand.u32 $0xFFFFFC00, v7;
	v7 =	vshrl.u32 v7, $0x9  }
0xbd: {  	v33 =	vld [tilespmem:$0xA0];
	v20 =	vshll.u32 v9, $0x1;
	v21 =	vand.u32 $0xFFFFFC00, v9;
	v22 =	vshrl.u32 v9, $0x9  }
0xbe: {  	v43 =	vld [tilespmem:$0xD0];
	v23 =	vshll.u32 v17, $0x1;
	v13 =	vand.u32 $0xFFFFFC00, v17;
	v26 =	vshll.u32 v11, $0x1  }
0xbf: {  	v49 =	vld [tilespmem:$0xE0];
	v27 =	vand.u32 $0xFFFFFC00, v11;
	v11 =	vshrl.u32 v11, $0x9;
	v29 =	vshll.u32 v12, $0x1  }
0xc0: {  	v53 =	vld [tilespmem:$0xF0];
	v30 =	vand.u32 $0xFFFFFC00, v12;
	v31 =	vshrl.u32 v12, $0x9;
	v32 =	vshll.u32 v24, $0x1  }
0xc1: {  	v35 =	vshll.u32 v14, $0x1;
	v36 =	vand.u32 $0xFFFFFC00, v14;
	v14 =	vshrl.u32 v14, $0x9  }
0xc2: {  	v38 =	vshll.u32 v15, $0x1;
	v39 =	vand.u32 $0xFFFFFC00, v15;
	v40 =	vshrl.u32 v15, $0x9  }
0xc3: {  	v41 =	vshll.u32 v33, $0x1;
	v52 =	vshll.u32 v43, $0x1;
	v54 =	vand.u32 $0xFFFFFC00, v43  }
0xc4: {  	v55 =	vshrl.u32 v43, $0x9;
	v58 =	vshll.u32 v49, $0x1;
	v59 =	vshrl.u32 v49, $0x9  }
0xc5: {  	v61 =	vshll.u32 v53, $0x1;
	v62 =	vshrl.u32 v53, $0x9;
	v6 =	vand.u32 $0x3FE, v6  }
0xc6: {  	v4 =	vand.u32 $0x1, v4;
	v5 =	vand.u32 $0x1, v5;
	v7 =	vand.u32 $0x1, v7  }
0xc7: {  	v9 =	vand.u32 $0x3FE, v23;
	v28 =	vand.u32 $0x1, v11;
	v11 =	vand.u32 $0x3FE, v29  }
0xc8: {  	v12 =	vand.u32 $0x3FE, v32;
	v37 =	vand.u32 $0x1, v14;
	v14 =	vand.u32 $0x3FE, v38  }
0xc9: {  	v15 =	vand.u32 $0x3FE, v41;
	v56 =	vand.u32 $0x1, v55;
	v60 =	vand.u32 $0x1, v59  }
0xca: {  	v6 =	vor.u32 v8, v6;
	v8 =	vand.u32 $0x3FE, v16;
	v9 =	vor.u32 v13, v9  }
0xcb: {  	v16 =	vand.u32 $0xFFFFFC00, v24;
	v13 =	vshrl.u32 v24, $0x9;
	v8 =	vor.u32 v10, v8  }
0xcc: {  	v4 =	vor.u32 v4, v6;
	v6 =	vand.u32 $0x3FE, v18;
	v10 =	vshrl.u32 v17, $0x9  }
0xcd: {  	v12 =	vor.u32 v16, v12;
	v13 =	vand.u32 $0x1, v13;
	v16 =	vshrl.u32 v33, $0x9  }
0xce: {  	v5 =	vor.u32 v5, v8;
	v6 =	vor.u32 v19, v6;
	v8 =	vand.u32 $0x3FE, v20  }
0xcf: {  	v10 =	vand.u32 $0x1, v10;
	v34 =	vor.u32 v13, v12;
	v12 =	vand.u32 $0x3FE, v35  }
0xd0: {  	v13 =	vor.u32 v39, v14;
	[tilespmem:$0x200] =	vst v4;
	v4 =	vand.u32 $0xFFFFFC00, v33;
	v42 =	vand.u32 $0x1, v16  }
0xd1: {  	v6 =	vor.u32 v7, v6;
	v7 =	vor.u32 v21, v8;
	v8 =	vand.u32 $0x1, v22  }
0xd2: {  	v17 =	vld [tilespmem:$0xB0];
	v25 =	vor.u32 v10, v9;
	v9 =	vand.u32 $0x3FE, v26;
	v10 =	vor.u32 v30, v11;
	[tilespmem:$0x210] =	vst v5  }
0xd3: {  	v18 =	vld [tilespmem:$0xC0];
	v11 =	vand.u32 $0x1, v31;
	v12 =	vor.u32 v36, v12;
	v5 =	vand.u32 $0x1, v40;
	[tilespmem:$0x270] =	vst v34  }
0xd4: {  	v4 =	vor.u32 v4, v15;
	v7 =	vor.u32 v8, v7;
	v9 =	vor.u32 v27, v9;
	[tilespmem:$0x220] =	vst v6  }
0xd5: {  	v10 =	vor.u32 v11, v10;
	v12 =	vor.u32 v37, v12;
	v4 =	vor.u32 v42, v4;
	[tilespmem:$0x240] =	vst v25  }
0xd6: {  	v5 =	vor.u32 v5, v13;
	v9 =	vor.u32 v28, v9;
	[tilespmem:$0x2A0] =	vst v4;
	v4 =	vand.u32 $0xFFFFFC00, v49  }
0xd7: {  	[tilespmem:$0x230] =	vst v7;
	v44 =	vshll.u32 v17, $0x1;
	v45 =	vand.u32 $0xFFFFFC00, v17;
	v46 =	vshrl.u32 v17, $0x9  }
0xd8: {  	[tilespmem:$0x260] =	vst v10;
	v48 =	vshll.u32 v18, $0x1;
	v50 =	vand.u32 $0xFFFFFC00, v18;
	v51 =	vshrl.u32 v18, $0x9  }
0xd9: {  	[tilespmem:$0x250] =	vst v9;
	v9 =	vand.u32 $0x3FE, v52;
	v6 =	vand.u32 $0x3FE, v44;
	v47 =	vand.u32 $0x1, v46  }
0xda: {  	[tilespmem:$0x280] =	vst v12;
	v8 =	vand.u32 $0x3FE, v48;
	v9 =	vor.u32 v54, v9;
	v6 =	vor.u32 v45, v6  }
0xdb: {  	[tilespmem:$0x290] =	vst v5;
	v7 =	vor.u32 v50, v8;
	v8 =	vand.u32 $0x1, v51;
	v57 =	vor.u32 v56, v9  }
0xdc: {  	v6 =	vor.u32 v47, v6;
	v5 =	vor.u32 v8, v7;
	v8 =	vand.u32 $0x3FE, v58;
	[tilespmem:$0x2D0] =	vst v57  }
0xdd: {  	v4 =	vor.u32 v4, v8;
	[tilespmem:$0x2C0] =	vst v5;
	v5 =	vand.u32 $0xFFFFFC00, v53;
	v8 =	vand.u32 $0x3FE, v61  }
0xde: {  	v63 =	vand.u32 $0x1, v62;
	[tilespmem:$0x2B0] =	vst v6;
	v4 =	vor.u32 v60, v4;
	v5 =	vor.u32 v5, v8  }
0xdf: {  	[tilespmem:$0x2E0] =	vst v4;
	v4 =	vor.u32 v63, v5  }
0xe0: {  	[tilespmem:$0x2F0] =	vst v4  }
0xe1: {  	[tilespmem:s12], [sflag:$0x1] =	stream.indirect.gather [hbm4b:s4+s10], $0x40, s11, s10, $0xb8;
	[tilespmem:$0xC600] =	vst v63  }
.LBB2_8:
0xe2: {  	_ =	swait.ge [sflag:s17], $0x4000;
	s21 =	simm.s32 $0x1  }
0xe3: {  	s22 =	simm.s32 $0x0;
	[sflag:s17] =	ssyncset.done $0x0;
	v4 =	vmov s21  }
0xe4: {  	s24 =	simm.s32 $0x4440;
	v5 =	vmov s22;
	[sflag:s17] =	ssyncadd.s32 $0xFFFFC000;
	v8 =	vand.u32 $0xFF, v4  }
0xe5: {  	v11 =	vand.u32 $0xFE, v5;
	v4 =	vld [tilespmem:s24+$0x0];
	v5 =	vadd.s32 v0, v8  }
0xe6: {  	v6 =	vld [tilespmem:s24+$0xFFFFFFC0];
	v7 =	vadd.s32 v0, v11;
	_ =	sdelay $0x3  }
0xe7: {  	s28 =	simm.s32 $0x3;
	[tilespmem:v5+s16+$0x0] =	vst.idx.msk $0xffff, v4  }
0xe8: {  	s29 =	simm.s32 $0x2;
	v4 =	vmov s28;
	[tilespmem:v7+s16+$0x0] =	vst.idx.msk $0xffff, v6;
	v7 =	vadd.s32 v1, v8;
	v6 =	vld [tilespmem:s24+$0x10]  }
0xe9: {  	s21 =	simm.s32 $0x44C0;
	v10 =	vadd.s32 v1, v11;
	v5 =	vmov s29;
	v4 =	vand.u32 $0xFF, v4;
	v9 =	vld [tilespmem:s24+$0xFFFFFFD0]  }
0xea: {  	v12 =	vld [tilespmem:s21+$0x0];
	v5 =	vand.u32 $0xFE, v5;
	v13 =	vadd.s32 v0, v4  }
0xeb: {  	v14 =	vld [tilespmem:s21+$0xFFFFFFC0];
	v15 =	vadd.s32 v0, v5;
	_ =	sdelay $0x1  }
0xec: {  	[tilespmem:v7+s16+$0x0] =	vst.idx.msk $0xffff, v6  }
0xed: {  	[tilespmem:v10+s16+$0x0] =	vst.idx.msk $0xffff, v9;
	v9 =	vadd.s32 v2, v8;
	v7 =	vld [tilespmem:s24+$0x20]  }
0xee: {  	[tilespmem:v13+s16+$0x0] =	vst.idx.msk $0xffff, v12;
	v10 =	vld [tilespmem:s24+$0xFFFFFFE0];
	v12 =	vadd.s32 v2, v11  }
0xef: {  	s30 =	simm.s32 $0x5;
	[tilespmem:v15+s16+$0x0] =	vst.idx.msk $0xffff, v14;
	v14 =	vadd.s32 v1, v4;
	v13 =	vld [tilespmem:s21+$0x10]  }
0xf0: {  	s31 =	simm.s32 $0x4;
	v6 =	vmov s30  }
0xf1: {  	s23 =	simm.s32 $0x4540;
	v17 =	vmov s31;
	v18 =	vadd.s32 v1, v5;
	v6 =	vand.u32 $0xFF, v6;
	v15 =	vld [tilespmem:s21+$0xFFFFFFD0]  }
0xf2: {  	v19 =	vld [tilespmem:s23+$0x0];
	v20 =	vadd.s32 v0, v6;
	[tilespmem:v9+s16+$0x0] =	vst.idx.msk $0xffff, v7;
	v7 =	vand.u32 $0xFE, v17  }
0xf3: {  	v16 =	vld [tilespmem:s23+$0xFFFFFFC0];
	[tilespmem:v12+s16+$0x0] =	vst.idx.msk $0xffff, v10;
	v17 =	vadd.s32 v0, v7  }
0xf4: {  	v9 =	vld [tilespmem:s24+$0x30];
	[tilespmem:v14+s16+$0x0] =	vst.idx.msk $0xffff, v13;
	v14 =	vadd.s32 v3, v8  }
0xf5: {  	v12 =	vadd.s32 v3, v11;
	v10 =	vld [tilespmem:s24+$0xFFFFFFF0]  }
0xf6: {  	s26 =	simm.s32 $0x7;
	v11 =	vadd.s32 v2, v4;
	[tilespmem:v18+s16+$0x0] =	vst.idx.msk $0xffff, v15;
	v8 =	vld [tilespmem:s21+$0x20]  }
0xf7: {  	s25 =	simm.s32 $0x8;
	s22 =	simm.s32 $0x4540;
	s24 =	simm.s32 $0x6;
	[tilespmem:v20+s16+$0x0] =	vst.idx.msk $0xffff, v19;
	v15 =	vadd.s32 v2, v5;
	v13 =	vld [tilespmem:s21+$0xFFFFFFE0]  }
.LBB2_9:
0xf8: {  	p1 =	slt.u32 s25, $0xFE;
	v18 =	vmov s26;
	[tilespmem:v17+s16+$0x0] =	vst.idx.msk $0xffff, v16;
	v19 =	vld [tilespmem:s23+$0x10];
	v20 =	vadd.s32 v1, v6  }
0xf9: {  	v16 =	vmov s24;
	v22 =	vadd.s32 v1, v7;
	s23 =	sadd.s32 $0x80, s23;
	s24 =	smov.u32 s25;
	v18 =	vand.u32 $0xFF, v18;
	v21 =	vld [tilespmem:s22+$0xFFFFFFD0];
	[tilespmem:v14+s16+$0x0] =	vst.idx.msk $0xffff, v9  }
0xfa: {  	v23 =	vand.u32 $0xFE, v16;
	v24 =	vld [tilespmem:s23+$0x0];
	v25 =	vadd.s32 v0, v18;
	[tilespmem:v12+s16+$0x0] =	vst.idx.msk $0xffff, v10  }
.Ltmp3:
0xfb: {  	v17 =	vadd.s32 v0, v23;
	v16 =	vld [tilespmem:s23+$0xFFFFFFC0];
	[tilespmem:v11+s16+$0x0] =	vst.idx.msk $0xffff, v8;
	(pc) =	sbr.rel @p1 .LBB2_9-.Ltmp3, $4  }
0xfc: {  	v14 =	vadd.s32 v3, v4;
	v4 =	vmov v6;
	v6 =	vmov v18;
	[tilespmem:v15+s16+$0x0] =	vst.idx.msk $0xffff, v13;
	v9 =	vld [tilespmem:s21+$0x30]  }
0xfd: {  	v12 =	vadd.s32 v3, v5;
	v5 =	vmov v7;
	v7 =	vmov v23;
	[tilespmem:v20+s16+$0x0] =	vst.idx.msk $0xffff, v19;
	v10 =	vld [tilespmem:s21+$0xFFFFFFF0];
	s21 =	smov.u32 s22;
	s22 =	smov.u32 s23  }
0xfe: {  	v11 =	vadd.s32 v2, v4;
	[tilespmem:v22+s16+$0x0] =	vst.idx.msk $0xffff, v21;
	v8 =	vld [tilespmem:s21+$0x20]  }
0xff: {  	s25 =	sadd.s32 $0x2, s25;
	s26 =	sadd.s32 $0x1, s24;
	v15 =	vadd.s32 v2, v5;
	[tilespmem:v25+s16+$0x0] =	vst.idx.msk $0xffff, v24;
	v13 =	vld [tilespmem:s21+$0xFFFFFFE0]  }
0x100: {  	v18 =	vmov s26  }
0x101: {  	v19 =	vmov s24;
	s30 =	sadd.s32 $0x80, s23;
	v18 =	vand.u32 $0xFF, v18  }
0x102: {  	v19 =	vand.u32 $0xFE, v19;
	v20 =	vld [tilespmem:s30+$0x0];
	v21 =	vadd.s32 v0, v18  }
0x103: {  	v22 =	vld [tilespmem:s30+$0xFFFFFFC0];
	v23 =	vadd.s32 v0, v19;
	_ =	sdelay $0x2  }
0x104: {  	[tilespmem:v17+s16+$0x0] =	vst.idx.msk $0xffff, v16;
	v41 =	vld [tilespmem:s23+$0x10];
	v42 =	vadd.s32 v1, v6  }
0x105: {  	v44 =	vadd.s32 v1, v7;
	v43 =	vld [tilespmem:s22+$0xFFFFFFD0];
	[tilespmem:v21+s16+$0x0] =	vst.idx.msk $0xffff, v20  }
0x106: {  	v46 =	vadd.s32 v1, v18;
	[tilespmem:v23+s16+$0x0] =	vst.idx.msk $0xffff, v22;
	v45 =	vld [tilespmem:s30+$0x10]  }
0x107: {  	[tilespmem:v14+s16+$0x0] =	vst.idx.msk $0xffff, v9;
	v48 =	vadd.s32 v1, v19;
	v47 =	vld [tilespmem:s30+$0xFFFFFFD0]  }
0x108: {  	[tilespmem:v12+s16+$0x0] =	vst.idx.msk $0xffff, v10  }
0x109: {  	[tilespmem:v42+s16+$0x0] =	vst.idx.msk $0xffff, v41  }
0x10a: {  	v50 =	vadd.s32 v2, v6;
	[tilespmem:v44+s16+$0x0] =	vst.idx.msk $0xffff, v43;
	v49 =	vld [tilespmem:s22+$0x20]  }
0x10b: {  	v52 =	vadd.s32 v2, v7;
	v51 =	vld [tilespmem:s22+$0xFFFFFFE0];
	[tilespmem:v46+s16+$0x0] =	vst.idx.msk $0xffff, v45  }
0x10c: {  	v54 =	vadd.s32 v2, v18;
	[tilespmem:v48+s16+$0x0] =	vst.idx.msk $0xffff, v47;
	v53 =	vld [tilespmem:s30+$0x20]  }
0x10d: {  	v56 =	vadd.s32 v2, v19;
	[tilespmem:v11+s16+$0x0] =	vst.idx.msk $0xffff, v8;
	v55 =	vld [tilespmem:s30+$0xFFFFFFE0]  }
0x10e: {  	v4 =	vadd.s32 v3, v4;
	[tilespmem:v15+s16+$0x0] =	vst.idx.msk $0xffff, v13;
	v57 =	vld [tilespmem:s21+$0x30]  }
0x10f: {  	v5 =	vadd.s32 v3, v5;
	v15 =	vld [tilespmem:s21+$0xFFFFFFF0];
	[tilespmem:v50+s16+$0x0] =	vst.idx.msk $0xffff, v49  }
0x110: {  	v58 =	vadd.s32 v3, v6;
	[tilespmem:v52+s16+$0x0] =	vst.idx.msk $0xffff, v51;
	v10 =	vld [tilespmem:s22+$0x30]  }
0x111: {  	v60 =	vadd.s32 v3, v7;
	v59 =	vld [tilespmem:s22+$0xFFFFFFF0];
	[tilespmem:v54+s16+$0x0] =	vst.idx.msk $0xffff, v53  }
0x112: {  	v62 =	vadd.s32 v3, v18;
	[tilespmem:v56+s16+$0x0] =	vst.idx.msk $0xffff, v55;
	v61 =	vld [tilespmem:s30+$0x30]  }
0x113: {  	v63 =	vadd.s32 v3, v19;
	[tilespmem:v4+s16+$0x0] =	vst.idx.msk $0xffff, v57;
	v4 =	vld [tilespmem:s30+$0xFFFFFFF0]  }
0x114: {  	[tilespmem:v5+s16+$0x0] =	vst.idx.msk $0xffff, v15  }
0x115: {  	[tilespmem:v58+s16+$0x0] =	vst.idx.msk $0xffff, v10  }
0x116: {  	[tilespmem:v60+s16+$0x0] =	vst.idx.msk $0xffff, v59  }
0x117: {  	s20 =	sadd.s32 s20, s6;
	[tilespmem:v62+s16+$0x0] =	vst.idx.msk $0xffff, v61  }
0x118: {  	s31 =	simm.s32 $0x8400;
	s20 =	sadd.s32 $0x20, s20;
	s21 =	simm.s32 $0x420;
	[tilespmem:v63+s16+$0x0] =	vst.idx.msk $0xffff, v4  }
0x119: {  	[hbm4b:s20+s3] =	stream.linear.scatter [tilespmem:s31], [sflag:$0x3], $0x100, $0x38;
	[tilespmem:$0xC600] =	vst v63  }
.LBB2_11:
0x11a: {  	p1 =	sne.s32 s21, $0x103E0  }
.Ltmp4:
0x11b: {  	_ = 	snop;
	(pc) =	sbr.rel @p1 .LBB2_11-.Ltmp4, $4  }
0x11c: {  	_ = 	snop  }
0x11d: {  	s22 =	sshra.s32 s21, $0x2;
	s21 =	sadd.s32 $0x420, s21  }
0x11e: {  	s20 =	sadd.s32 $0x800, s20;
	s22 =	sadd.s32 $0x8400, s22  }
0x11f: {  	[hbm4b:s20+s3] =	stream.linear.scatter [tilespmem:s22], [sflag:$0x3], $0x100, $0x38;
	[tilespmem:$0xC600] =	vst v63  }
0x120: {  	_ =	swait.ge [sflag:s9], $0x4000  }
0x121: {  	[sflag:s9] =	ssyncset.done $0x0  }
0x122: {  	[sflag:s9] =	ssyncadd.s32 $0xFFFFC000  }
0x123: {  	v4 =	vld @!p0 [tilespmem:$0x100]  }
0x124: {  	v5 =	vld @!p0 [tilespmem:$0x110];
	_ =	sdelay $0x1  }
0x125: {  	v7 =	vld @!p0 [tilespmem:$0x120];
	_ =	sdelay $0x1  }
0x126: {  	v6 =	vshll.u32 @!p0 v4, $0x1;
	v8 =	vand.u32 @!p0 $0xFFFFFC00, v4;
	v4 =	vshrl.u32 @!p0 v4, $0x9  }
0x127: {  	v9 =	vld @!p0 [tilespmem:$0x130];
	v10 =	vand.u32 @!p0 $0xFFFFFC00, v5;
	v6 =	vand.u32 @!p0 $0x3FE, v6;
	v4 =	vand.u32 @!p0 $0x1, v4  }
0x128: {  	v6 =	vor.u32 @!p0 v8, v6;
	v8 =	vshll.u32 @!p0 v5, $0x1;
	v5 =	vshrl.u32 @!p0 v5, $0x9  }
0x129: {  	v17 =	vld @!p0 [tilespmem:$0x1B0];
	v8 =	vand.u32 @!p0 $0x3FE, v8;
	v4 =	vor.u32 @!p0 v4, v6;
	v6 =	vshll.u32 @!p0 v7, $0x1  }
0x12a: {  	v5 =	vand.u32 @!p0 $0x1, v5;
	v8 =	vor.u32 @!p0 v10, v8;
	v10 =	vld @!p0 [tilespmem:$0x140];
	v6 =	vand.u32 @!p0 $0x3FE, v6  }
0x12b: {  	v5 =	vor.u32 @!p0 v5, v8;
	v8 =	vand.u32 @!p0 $0xFFFFFC00, v7;
	v7 =	vshrl.u32 @!p0 v7, $0x9  }
0x12c: {  	v6 =	vor.u32 @!p0 v8, v6;
	v7 =	vand.u32 @!p0 $0x1, v7;
	v8 =	vshll.u32 @!p0 v9, $0x1  }
0x12d: {  	v6 =	vor.u32 @!p0 v7, v6;
	v7 =	vand.u32 @!p0 $0xFFFFFC00, v9;
	v8 =	vand.u32 @!p0 $0x3FE, v8  }
0x12e: {  	v11 =	vld @!p0 [tilespmem:$0x150];
	v7 =	vor.u32 @!p0 v7, v8  }
0x12f: {  	v18 =	vld @!p0 [tilespmem:$0x1C0];
	v8 =	vshrl.u32 @!p0 v9, $0x9;
	[tilespmem:$0x320] =	vst @!p0 v6;
	v6 =	vshll.u32 @!p0 v17, $0x1;
	v9 =	vshll.u32 @!p0 v10, $0x1  }
0x130: {  	v12 =	vld @!p0 [tilespmem:$0x160];
	v13 =	vand.u32 @!p0 $0xFFFFFC00, v10;
	v10 =	vshrl.u32 @!p0 v10, $0x9;
	v8 =	vand.u32 @!p0 $0x1, v8  }
0x131: {  	v6 =	vand.u32 @!p0 $0x3FE, v6;
	v9 =	vand.u32 @!p0 $0x3FE, v9;
	v7 =	vor.u32 @!p0 v8, v7  }
0x132: {  	v10 =	vand.u32 @!p0 $0x1, v10;
	v9 =	vor.u32 @!p0 v13, v9;
	v13 =	vld @!p0 [tilespmem:$0x170];
	[tilespmem:$0x330] =	vst @!p0 v7;
	v7 =	vand.u32 @!p0 $0xFFFFFC00, v17  }
0x133: {  	v8 =	vor.u32 @!p0 v10, v9;
	v9 =	vshll.u32 @!p0 v11, $0x1;
	v10 =	vand.u32 @!p0 $0xFFFFFC00, v11  }
0x134: {  	v11 =	vshrl.u32 @!p0 v11, $0x9;
	v9 =	vand.u32 @!p0 $0x3FE, v9;
	[tilespmem:$0x340] =	vst @!p0 v8;
	v8 =	vshll.u32 @!p0 v18, $0x1  }
0x135: {  	v14 =	vld @!p0 [tilespmem:$0x180];
	v9 =	vor.u32 @!p0 v10, v9;
	v10 =	vand.u32 @!p0 $0x1, v11;
	v11 =	vshll.u32 @!p0 v12, $0x1  }
0x136: {  	v9 =	vor.u32 @!p0 v10, v9;
	v10 =	vand.u32 @!p0 $0xFFFFFC00, v12;
	v11 =	vand.u32 @!p0 $0x3FE, v11  }
0x137: {  	v15 =	vld @!p0 [tilespmem:$0x190];
	v10 =	vor.u32 @!p0 v10, v11;
	v11 =	vshrl.u32 @!p0 v12, $0x9;
	v12 =	vshll.u32 @!p0 v13, $0x1  }
0x138: {  	v16 =	vand.u32 @!p0 $0xFFFFFC00, v13;
	v13 =	vshrl.u32 @!p0 v13, $0x9;
	v12 =	vand.u32 @!p0 $0x3FE, v12  }
0x139: {  	v11 =	vand.u32 @!p0 $0x1, v11;
	v13 =	vand.u32 @!p0 $0x1, v13;
	v12 =	vor.u32 @!p0 v16, v12;
	v16 =	vld @!p0 [tilespmem:$0x1A0]  }
0x13a: {  	v10 =	vor.u32 @!p0 v11, v10;
	v11 =	vor.u32 @!p0 v13, v12;
	v12 =	vshll.u32 @!p0 v14, $0x1  }
0x13b: {  	v13 =	vand.u32 @!p0 $0xFFFFFC00, v14;
	v14 =	vshrl.u32 @!p0 v14, $0x9;
	v12 =	vand.u32 @!p0 $0x3FE, v12  }
0x13c: {  	v12 =	vor.u32 @!p0 v13, v12;
	v13 =	vand.u32 @!p0 $0x1, v14;
	v14 =	vshll.u32 @!p0 v15, $0x1  }
0x13d: {  	v12 =	vor.u32 @!p0 v13, v12;
	v13 =	vand.u32 @!p0 $0xFFFFFC00, v15;
	v14 =	vand.u32 @!p0 $0x3FE, v14  }
0x13e: {  	[tilespmem:$0x300] =	vst @!p0 v4;
	v13 =	vor.u32 @!p0 v13, v14;
	v14 =	vshrl.u32 @!p0 v15, $0x9;
	v15 =	vshll.u32 @!p0 v16, $0x1  }
0x13f: {  	[tilespmem:$0x310] =	vst @!p0 v5;
	v4 =	vand.u32 @!p0 $0xFFFFFC00, v16;
	v15 =	vand.u32 @!p0 $0x3FE, v15;
	v5 =	vand.u32 @!p0 $0x1, v14  }
0x140: {  	v4 =	vor.u32 @!p0 v4, v15;
	v15 =	vld @!p0 [tilespmem:$0x1D0];
	v5 =	vor.u32 @!p0 v5, v13;
	v13 =	vshrl.u32 @!p0 v17, $0x9  }
0x141: {  	v6 =	vor.u32 @!p0 v7, v6;
	v8 =	vand.u32 @!p0 $0x3FE, v8;
	v7 =	vand.u32 @!p0 $0x1, v13;
	v13 =	vld @!p0 [tilespmem:$0x1E0]  }
0x142: {  	v16 =	vshrl.u32 @!p0 v16, $0x9;
	v6 =	vor.u32 @!p0 v7, v6;
	v7 =	vand.u32 @!p0 $0xFFFFFC00, v18  }
0x143: {  	[tilespmem:$0x360] =	vst @!p0 v10;
	v10 =	vld @!p0 [tilespmem:$0x1F0];
	v14 =	vand.u32 @!p0 $0x1, v16;
	v7 =	vor.u32 @!p0 v7, v8;
	v8 =	vshrl.u32 @!p0 v18, $0x9  }
0x144: {  	[tilespmem:$0x350] =	vst @!p0 v9;
	v4 =	vor.u32 @!p0 v14, v4;
	v8 =	vand.u32 @!p0 $0x1, v8  }
0x145: {  	[tilespmem:$0x370] =	vst @!p0 v11;
	v9 =	vshll.u32 @!p0 v15, $0x1;
	v11 =	vand.u32 @!p0 $0xFFFFFC00, v15;
	v14 =	vshrl.u32 @!p0 v15, $0x9  }
0x146: {  	[tilespmem:$0x390] =	vst @!p0 v5;
	v5 =	vor.u32 @!p0 v8, v7;
	v9 =	vand.u32 @!p0 $0x3FE, v9;
	v8 =	vshll.u32 @!p0 v13, $0x1  }
0x147: {  	p1 =	sne.s32 @!p0 s19, $0x14;
	[tilespmem:$0x3A0] =	vst @!p0 v4;
	v4 =	vand.u32 @!p0 $0xFFFFFC00, v13;
	v9 =	vor.u32 @!p0 v11, v9;
	v11 =	vand.u32 @!p0 $0x1, v14  }
0x148: {  	p1 =	por p0, !p1;
	[tilespmem:$0x3C0] =	vst @!p0 v5;
	v5 =	vand.u32 @!p0 $0xFFFFFC00, v10;
	v8 =	vand.u32 @!p0 $0x3FE, v8;
	v7 =	vor.u32 @!p0 v11, v9  }
.Ltmp5:
0x149: {  	[tilespmem:$0x380] =	vst @!p0 v12;
	v9 =	vshrl.u32 @!p0 v13, $0x9;
	v4 =	vor.u32 @!p0 v4, v8;
	v8 =	vshll.u32 @!p0 v10, $0x1;
	(pc) =	sbr.rel @!p1 .LBB2_2-.Ltmp5, $4  }
0x14a: {  	[tilespmem:$0x3B0] =	vst @!p0 v6;
	v6 =	vand.u32 @!p0 $0x1, v9;
	v8 =	vand.u32 @!p0 $0x3FE, v8;
	v9 =	vshrl.u32 @!p0 v10, $0x9  }
0x14b: {  	[tilespmem:$0x3D0] =	vst @!p0 v7;
	v4 =	vor.u32 @!p0 v6, v4;
	v5 =	vor.u32 @!p0 v5, v8;
	v6 =	vand.u32 @!p0 $0x1, v9  }
0x14c: {  	[tilespmem:$0x3E0] =	vst @!p0 v4;
	v4 =	vor.u32 @!p0 v6, v5  }
0x14d: {  	[tilespmem:$0x3F0] =	vst @!p0 v4  }
0x14e: {  	s18 =	sadd.s32 $0x1, s18  }
0x14f: {  	p0 =	sne.s32 s18, s8  }
.Ltmp6:
0x150: {  	_ = 	snop;
	(pc) =	sbr.rel @p0 .LBB2_1-.Ltmp6, $1  }
0x151: {  	_ =	sdelay $0x3  }
0x152: {  	_ =	sfence.sel $0x180000  }
0x153: {  	[bflag:$0x0] =	sbarrier.arrive $0xFFFF  }
0x154: {  	p0 =	sne.s32 s2, $0x0;
	_ =	strace $0x90000047  }
0x155: {  	s0 =	sadd.s32 @!p0 $0x100000, s0;
	[bflag:$0x2] =	sbarrier.arrive $0xFFFF  }
0x156: {  	[sflag:s0] =	ssyncadd.tile.s32 @!p0 $0x1;
	_ =	shalt  }
.Lfunc_end2:
_tile_overlayer_lowered:
.L_overlay_start_2:
0x157: {  	(tag) =	ssettag $0x2  }
0x158: {  	s0 =	rddreg [dreg:$0x0];
	s2 =	stileid.u32  }
0x159: {  	s1 =	rddreg [dreg:$0x1];
	p0 =	sne.s32 s2, $0x0  }
0x15a: {  	s3 =	rddreg [dreg:$0x2];
	[bflag:$0x3] =	sbarrier.arrive $0xFFFF;
	s2 =	simm.s32 @!p0 $0x1C03  }
0x15b: {  	[timem:s3], [sflag:s2] =	dma.local @!p0 [hbm:s0], s1  }
0x15c: {  	s0 =	simm.s32 @!p0 $0x3  }
0x15d: {  	_ =	swait.ge @!p0 [sflag:s0], s1  }
0x15e: {  	s1 =	ssub.s32 @!p0 $0x0, s1;
	[sflag:s0] =	ssyncset.done @!p0 $0x0  }
0x15f: {  	[sflag:s0] =	ssyncadd.s32 @!p0 s1  }
0x160: {  	[bflag:$0x3] =	sbarrier.arrive $0xFFFF  }
0x161: {  	_ =	shalt  }

</sc_bundles>
